<compile_context>
chip_gen: v7x
topology: tpu7x:2x2x1
jax: 0.10.2.dev20260603
libtpu: 0.0.44.dev20260713+nightly
codegen_flags: <defaults>
</compile_context>

<pallas_src>
import jax
import jax.numpy as jnp
from jax import lax
from jax.experimental import pallas as pl
from jax.experimental.pallas import tpu as pltpu
from jax.experimental.pallas import tpu_sc as plsc

NC = 2
NS = 16
LANES = 16


def _sc_agg(xflat, srcp, dstp, N, Dh):
    ITERS = dstp.shape[1]
    C = dstp.shape[2]
    RBS = 80
    NB = N // RBS
    assert N % RBS == 0

    mesh = plsc.VectorSubcoreMesh(core_axis_name="c", subcore_axis_name="s",
                                  num_cores=NC, num_subcores=NS)

    def body(xf_hbm, srcp_hbm, dstp_hbm, out_hbm, agg_sp, src_v,
             dst_v, rows_a, rows_b, sema, semb):
        cid = lax.axis_index("c")
        sid = lax.axis_index("s")
        nblk = (NB - sid + NS - 1) // NS

        pltpu.sync_copy(srcp_hbm.at[cid * NS + sid], src_v)
        pltpu.sync_copy(dstp_hbm.at[sid], dst_v)

        zeros16 = jnp.zeros((LANES,), jnp.float32)
        nlw = Dh // LANES

        def zfill(k, carry):
            rows_a[k // nlw, pl.ds((k % nlw) * LANES, LANES)] = zeros16
            return carry

        lax.fori_loop(0, RBS * nlw, zfill, 0)

        def zcopy(t, carry):
            b = sid + t * NS
            pltpu.sync_copy(rows_a.at[pl.ds(0, RBS), :],
                            agg_sp.at[pl.ds(b * RBS, RBS), :])
            return carry

        lax.fori_loop(0, nblk, zcopy, 0)
        plsc.subcore_barrier()

        def gissue(it, rows, sem):
            pltpu.async_copy(xf_hbm.at[src_v.at[pl.ds(it * C, C)]], rows, sem)

        def gwait(it, rows, sem):
            pltpu.make_async_copy(xf_hbm.at[src_v.at[pl.ds(it * C, C)]],
                                  rows, sem).wait()

        def scat(it, rows):
            pltpu.sync_copy(rows, agg_sp.at[dst_v.at[it]], add=True)

        gissue(0, rows_a, sema)
        gissue(1, rows_b, semb)

        def pair(k, carry):
            it0 = 2 * k
            it1 = 2 * k + 1

            gwait(it0, rows_a, sema)
            scat(it0, rows_a)

            @pl.when(it0 + 2 < ITERS)
            def _():
                gissue(it0 + 2, rows_a, sema)

            @pl.when(it1 < ITERS)
            def _():
                gwait(it1, rows_b, semb)
                scat(it1, rows_b)

                @pl.when(it1 + 2 < ITERS)
                def _():
                    gissue(it1 + 2, rows_b, semb)

            return carry

        lax.fori_loop(0, (ITERS + 1) // 2, pair, 0)
        plsc.subcore_barrier()

        def wcopy(t, carry):
            b = sid + t * NS
            pltpu.sync_copy(agg_sp.at[pl.ds(b * RBS, RBS), :],
                            out_hbm.at[pl.ds(cid * N + b * RBS, RBS)])
            return carry

        lax.fori_loop(0, nblk, wcopy, 0)

    k = pl.kernel(
        body,
        out_type=jax.ShapeDtypeStruct((NC * N, Dh), jnp.float32),
        mesh=mesh,
        scratch_types=[
            pltpu.VMEM_SHARED((N + 8, Dh), jnp.float32),
            pltpu.VMEM((ITERS * C,), jnp.int32),
            pltpu.VMEM((ITERS, C), jnp.int32),
            pltpu.VMEM((C, Dh), jnp.float32),
            pltpu.VMEM((C, Dh), jnp.float32),
            pltpu.SemaphoreType.DMA,
            pltpu.SemaphoreType.DMA,
        ],
    )
    return k(xflat, srcp, dstp)


def _sc_scores(sabf, src, dst, N, E):
    NW = NC * NS
    EW = E // NW
    NV = (EW + LANES - 1) // LANES
    EWP = NV * LANES
    assert EW % 8 == 0

    mesh = plsc.VectorSubcoreMesh(core_axis_name="c", subcore_axis_name="s",
                                  num_cores=NC, num_subcores=NS)

    def body(sab_hbm, src_hbm, dst_hbm, out_hbm, sab_v, src_v, dst_v, sc_v):
        cid = lax.axis_index("c")
        sid = lax.axis_index("s")
        wid = sid * NC + cid
        base = wid * EW

        pltpu.sync_copy(sab_hbm, sab_v)
        pltpu.sync_copy(src_hbm.at[pl.ds(base, EW)], src_v.at[pl.ds(0, EW)])
        pltpu.sync_copy(dst_hbm.at[pl.ds(base, EW)], dst_v.at[pl.ds(0, EW)])

        def vbody(j, carry):
            sidx = jnp.maximum(jnp.minimum(src_v[pl.ds(j * LANES, LANES)],
                                           N - 1), 0)
            didx = jnp.maximum(jnp.minimum(dst_v[pl.ds(j * LANES, LANES)],
                                           N - 1), 0)
            sa = plsc.load_gather(sab_v, [sidx * 2])
            sb = plsc.load_gather(sab_v, [didx * 2 + 1])
            sc_v[pl.ds(j * LANES, LANES)] = sa + sb
            return carry

        lax.fori_loop(0, NV, vbody, 0)
        pltpu.sync_copy(sc_v.at[pl.ds(0, EW)], out_hbm.at[pl.ds(base, EW)])

    k = pl.kernel(
        body,
        out_type=jax.ShapeDtypeStruct((E,), jnp.float32),
        mesh=mesh,
        scratch_types=[
            pltpu.VMEM((2 * N,), jnp.float32),
            pltpu.VMEM((EWP,), jnp.int32),
            pltpu.VMEM((EWP,), jnp.int32),
            pltpu.VMEM((EWP,), jnp.float32),
        ],
        compiler_params=pltpu.CompilerParams(needs_layout_passes=False),
    )
    return k(sabf, src, dst)


def _tc_pre(x, W_self, N, D, H):
    R = 1000
    G = N // R
    hi = jax.lax.Precision.HIGHEST

    def body(x_ref, ws_ref, pre_ref):
        pre_ref[...] = jnp.dot(x_ref[...], ws_ref[...], precision=hi)

    return pl.pallas_call(
        body,
        grid=(G,),
        in_specs=[
            pl.BlockSpec((R, D), lambda i: (i, 0)),
            pl.BlockSpec((D, H), lambda i: (0, 0)),
        ],
        out_specs=pl.BlockSpec((R, H), lambda i: (i, 0)),
        out_shape=jax.ShapeDtypeStruct((N, H), jnp.float32),
    )(x, W_self)


def _tc_mid(pre, agg2, W_msg, brgn, Wact2, N, D, H):
    R = 1000
    G = N // R
    Dh = D // 2
    hi = jax.lax.Precision.HIGHEST

    def body(pre_ref, agg_ref, wm_ref, br_ref, wa_ref, ne_ref, sab_ref):
        a0 = agg_ref[0]
        a1 = agg_ref[1]
        acc = jnp.dot(a0, wm_ref[:Dh, :], precision=hi)
        acc = acc + jnp.dot(a1, wm_ref[Dh:, :], precision=hi)
        ne = jnp.maximum(pre_ref[...] + acc + br_ref[...], 0.0)
        ne_ref[...] = ne
        sab_ref[...] = jnp.dot(ne, wa_ref[...], precision=hi)

    return pl.pallas_call(
        body,
        grid=(G,),
        in_specs=[
            pl.BlockSpec((R, H), lambda i: (i, 0)),
            pl.BlockSpec((2, R, Dh), lambda i: (0, i, 0)),
            pl.BlockSpec((D, H), lambda i: (0, 0)),
            pl.BlockSpec((1, H), lambda i: (0, 0)),
            pl.BlockSpec((H, 2), lambda i: (0, 0)),
        ],
        out_specs=[
            pl.BlockSpec((R, H), lambda i: (i, 0)),
            pl.BlockSpec((R, 2), lambda i: (i, 0)),
        ],
        out_shape=[
            jax.ShapeDtypeStruct((N, H), jnp.float32),
            jax.ShapeDtypeStruct((N, 2), jnp.float32),
        ],
    )(pre, agg2, W_msg, brgn, Wact2)


def _tc_critic(ne, W_c1, bc1, wc2r, N, H):
    R = 1000
    G = N // R
    hi = jax.lax.Precision.HIGHEST

    def body(ne_ref, w1_ref, b1_ref, w2_ref, vs_ref):
        i = pl.program_id(0)
        h = jnp.maximum(
            jnp.dot(ne_ref[...], w1_ref[...], precision=hi) + b1_ref[...],
            0.0)
        vpart = jnp.sum(h * w2_ref[...])

        @pl.when(i == 0)
        def _():
            vs_ref[...] = jnp.zeros((1, 1), jnp.float32)

        vs_ref[...] += vpart.reshape(1, 1)

    return pl.pallas_call(
        body,
        grid=(G,),
        in_specs=[
            pl.BlockSpec((R, H), lambda i: (i, 0)),
            pl.BlockSpec((H, H), lambda i: (0, 0)),
            pl.BlockSpec((1, H), lambda i: (0, 0)),
            pl.BlockSpec((1, H), lambda i: (0, 0)),
        ],
        out_specs=pl.BlockSpec((1, 1), lambda i: (0, 0)),
        out_shape=jax.ShapeDtypeStruct((1, 1), jnp.float32),
    )(ne, W_c1, bc1, wc2r)


def _tc_final(scores2, g2, vsum, bc2, N):
    rows, cols = scores2.shape

    def body(s_ref, g_ref, vs_ref, b_ref, a_ref, lp_ref, v_ref):
        s = s_ref[...]
        m = jnp.max(s)
        p = jnp.exp(s - m)
        tot = jnp.sum(p)
        logits = jnp.log(p / tot + 1e-12)
        y = g_ref[...] + logits
        ymax = jnp.max(y)
        ri = lax.broadcasted_iota(jnp.int32, (rows, cols), 0)
        ci = lax.broadcasted_iota(jnp.int32, (rows, cols), 1)
        flat = ri * cols + ci
        hit = jnp.where(y == ymax, flat, 2147483647)
        a = jnp.min(hit)
        a_ref[...] = a.reshape(1, 1)
        lp_ref[...] = jnp.sum(jnp.where(flat == a, logits, 0.0)).reshape(1, 1)
        v_ref[...] = vs_ref[...] / N + b_ref[...]

    return pl.pallas_call(
        body,
        out_shape=[
            jax.ShapeDtypeStruct((1, 1), jnp.int32),
            jax.ShapeDtypeStruct((1, 1), jnp.float32),
            jax.ShapeDtypeStruct((1, 1), jnp.float32),
        ],
    )(scores2, g2, vsum, bc2)


def kernel(x, edge_index, W_self, W_msg, b_rgn, W_c1, b_c1, W_c2, b_c2,
           W_act, b_act):
    N, D = x.shape
    H = W_self.shape[1]
    E = edge_index.shape[1]
    Dh = D // 2
    src = edge_index[0]
    dst = edge_index[1]

    xflat = x.reshape(N, 2, Dh).transpose(1, 0, 2).reshape(2 * N, Dh)

    EP = E // NS
    C = 96
    ITERS = -(-EP // C)
    pad = ITERS * C - EP
    src_t = jnp.pad(src.reshape(NS, EP), ((0, 0), (0, pad)))
    dst_t = jnp.pad(dst.reshape(NS, EP), ((0, 0), (0, pad)),
                    constant_values=N)
    srcp = jnp.concatenate([src_t, src_t + N], axis=0)
    dstp = dst_t.reshape(NS, ITERS, C)

    aggf = _sc_agg(xflat, srcp, dstp, N, Dh)
    agg2 = aggf.reshape(2, N, Dh)

    pre = _tc_pre(x, W_self, N, D, H)
    ne, sab = _tc_mid(pre, agg2, W_msg, b_rgn.reshape(1, H),
                      jnp.concatenate([W_act[:H], W_act[H:]], axis=1),
                      N, D, H)
    vsum = _tc_critic(ne, W_c1, b_c1.reshape(1, H), W_c2.reshape(1, H), N, H)

    scores = _sc_scores(sab.reshape(2 * N), src, dst, N, E)

    g = jax.random.gumbel(jax.random.key(42), (E,), jnp.float32)
    rows = E // 128
    a2, lp2, v2 = _tc_final(scores.reshape(rows, 128), g.reshape(rows, 128),
                            vsum, b_c2.reshape(1, 1), N)
    return (a2.reshape(()), lp2.reshape(()), v2.reshape(()))

# --- scband reference (transcript-rebuilt; emitter-appended) ---
"""Pipeline reference for scband-graph-actor-critic-4853313044919 (READ-ONLY COPY).

The authoritative reference and input builder live on the scoring server;
editing this copy changes nothing except your own understanding.
"""

import jax, jax.numpy as jnp
import numpy as np

N = 10000
E = 160000
D = 256
H = 256


def setup_inputs(seed: int = 0) -> dict:
    key = jax.random.key(seed)
    ks = jax.random.split(key, 8)
    x = jax.random.normal(ks[0], (N, D), dtype=jnp.float32)
    edge_index = jax.random.randint(ks[1], (2, E), 0, N, dtype=jnp.int32)
    # RelationalGN params (single-hop relational message passing)
    W_self = jax.random.normal(ks[2], (D, H), dtype=jnp.float32) * 0.05
    W_msg = jax.random.normal(ks[3], (D, H), dtype=jnp.float32) * 0.05
    b_rgn = jnp.zeros((H,), dtype=jnp.float32)
    # Critic MLP (node_embed_dim -> node_embed_dim -> 1)
    W_c1 = jax.random.normal(ks[4], (H, H), dtype=jnp.float32) * 0.05
    b_c1 = jnp.zeros((H,), dtype=jnp.float32)
    W_c2 = jax.random.normal(ks[5], (H, 1), dtype=jnp.float32) * 0.05
    b_c2 = jnp.zeros((1,), dtype=jnp.float32)
    # GraphActor edge-scoring params (concat(src,dst) -> 1 logit per edge)
    W_act = jax.random.normal(ks[6], (2 * H, 1), dtype=jnp.float32) * 0.05
    b_act = jnp.zeros((1,), dtype=jnp.float32)
    return {"x": x, "edge_index": edge_index, "W_self": W_self, "W_msg": W_msg,
            "b_rgn": b_rgn, "W_c1": W_c1, "b_c1": b_c1, "W_c2": W_c2,
            "b_c2": b_c2, "W_act": W_act, "b_act": b_act}


def reference(x, edge_index, W_self, W_msg, b_rgn, W_c1, b_c1, W_c2, b_c2, W_act, b_act):
    src = edge_index[0]
    dst = edge_index[1]
    # RelationalGN: gather src features, transform, scatter-add into dst nodes
    msg = x[src] @ W_msg                                   # [E, H] gather + matmul
    agg = jnp.zeros((x.shape[0], W_msg.shape[1]), dtype=x.dtype).at[dst].add(msg)
    node_embed = jax.nn.relu(x @ W_self + agg + b_rgn)      # [N, H]
    # Critic: MLP(node_embed) -> [N,1], mean over nodes (dim=0)
    h = jax.nn.relu(node_embed @ W_c1 + b_c1)
    state_value = (h @ W_c2 + b_c2).mean(axis=0).squeeze()  # scalar
    # GraphActor: per-edge action logits from concat(src_embed, dst_embed)
    e_feat = jnp.concatenate([node_embed[src], node_embed[dst]], axis=-1)  # [E, 2H]
    scores = (e_feat @ W_act + b_act).squeeze(-1)           # [E]
    action_probabilities = jax.nn.softmax(scores)           # Categorical over edges
    logits = jnp.log(action_probabilities + 1e-12)
    # Categorical sample (fixed key for determinism) + log_prob
    nn_action = jax.random.categorical(jax.random.key(42), logits)
    logprob = logits[nn_action]
    return (nn_action, logprob, state_value)

if __name__ == "__main__":
    import jax
    _d = setup_inputs()
    print(jax.jit(kernel)(*tuple(_d.values())))

</pallas_src>

<mosaic_0001>
#map = affine_map<(d0, d1) -> (0, 0)>
#map1 = affine_map<(d0, d1) -> (0, 0, 0)>
module attributes {stable_mosaic.version = 14 : i64} {
  func.func @body(%arg0: i32, %arg1: i32, %arg2: memref<20000x128xf32, #tpu.memory_space<hbm>>, %arg3: memref<32x10080xi32, #tpu.memory_space<hbm>>, %arg4: memref<16x105x96xi32, #tpu.memory_space<hbm>>, %arg5: memref<20000x128xf32, #tpu.memory_space<hbm>>, %arg6: memref<10008x128xf32, #tpu.memory_space<vmem_shared>>, %arg7: memref<10080xi32, #tpu.memory_space<vmem>>, %arg8: memref<105x96xi32, #tpu.memory_space<vmem>>, %arg9: memref<96x128xf32, #tpu.memory_space<vmem>>, %arg10: memref<96x128xf32, #tpu.memory_space<vmem>>, %arg11: memref<!tpu.dma_semaphore, #tpu.memory_space<semaphore_mem>>, %arg12: memref<!tpu.dma_semaphore, #tpu.memory_space<semaphore_mem>>) attributes {dimension_semantics = [#tpu.dimension_semantics<core_parallel>, #tpu.dimension_semantics<subcore_parallel>], iteration_bounds = array<i64: 2, 16>, scalar_prefetch = 0 : i64, scratch_operands = 7 : i64, tpu.core_type = #tpu.core_type<sc_vector_subcore>, window_params = [{transform_indices = #map}, {transform_indices = #map}, {transform_indices = #map1}, {transform_indices = #map}]} {
    %sub3A = arith.constant 125 : i32
    %sub3A_0 = arith.subi %sub3A, %arg1 : i32
    %add3A = arith.constant 16 : i32
    %add3A_1 = arith.addi %sub3A_0, %add3A : i32
    %sub3A_2 = arith.constant 1 : i32
    %sub3A_3 = arith.subi %add3A_1, %sub3A_2 : i32
    %jit3A = arith.constant 16 : i32
    %div3A = arith.divsi %sub3A_3, %jit3A : i32
    %sign3A = arith.constant 0 : i32
    %sign3A_4 = arith.cmpi sgt, %sub3A_3, %sign3A : i32
    %sign3A_5 = arith.extui %sign3A_4 : i1 to i32
    %sign3A_6 = arith.constant 0 : i32
    %sign3A_7 = arith.cmpi slt, %sub3A_3, %sign3A_6 : i32
    %sign3A_8 = arith.extui %sign3A_7 : i1 to i32
    %sign3A_9 = arith.subi %sign3A_5, %sign3A_8 : i32
    %sign3A_10 = arith.constant 0 : i32
    %sign3A_11 = arith.cmpi sgt, %jit3A, %sign3A_10 : i32
    %sign3A_12 = arith.extui %sign3A_11 : i1 to i32
    %sign3A_13 = arith.constant 0 : i32
    %sign3A_14 = arith.cmpi slt, %jit3A, %sign3A_13 : i32
    %sign3A_15 = arith.extui %sign3A_14 : i1 to i32
    %sign3A_16 = arith.subi %sign3A_12, %sign3A_15 : i32
    %ne3A = arith.cmpi ne, %sign3A_9, %sign3A_16 : i32
    %rem3A = arith.remsi %sub3A_3, %jit3A : i32
    %ne3A_17 = arith.constant 0 : i32
    %ne3A_18 = arith.cmpi ne, %rem3A, %ne3A_17 : i32
    %and3A = arith.andi %ne3A, %ne3A_18 : i1
    %sub3A_19 = arith.constant 1 : i32
    %sub3A_20 = arith.subi %div3A, %sub3A_19 : i32
    %select_n3A = arith.select %and3A, %sub3A_20, %div3A : i32
    %mul3A = arith.constant 16 : i32
    %mul3A_21 = arith.muli %arg0, %mul3A : i32
    %add3A_22 = arith.addi %mul3A_21, %arg1 : i32
    "tpu.region"() ({
      %run_scoped3A = tpu.sem_alloc : memref<!tpu.dma_semaphore, #tpu.memory_space<semaphore_mem>>
      %dma_start3A_64 = arith.constant 0 : i32
      %dma_start3A_65 = tpu.memref_slice %arg3[%add3A_22, %dma_start3A_64] : memref<32x10080xi32, #tpu.memory_space<hbm>> -> memref<1x10080xi32, #tpu.memory_space<hbm>>
      %dma_start3A_66 = tpu.memref_squeeze %dma_start3A_65 : memref<1x10080xi32, #tpu.memory_space<hbm>> -> memref<10080xi32, #tpu.memory_space<hbm>>
      %dma_start3A_67 = arith.constant 0 : i32
      %dma_start3A_68 = tpu.memref_slice %arg3[%add3A_22, %dma_start3A_67] : memref<32x10080xi32, #tpu.memory_space<hbm>> -> memref<1x10080xi32, #tpu.memory_space<hbm>>
      %dma_start3A_69 = tpu.memref_squeeze %dma_start3A_68 : memref<1x10080xi32, #tpu.memory_space<hbm>> -> memref<10080xi32, #tpu.memory_space<hbm>>
      tpu.enqueue_dma source(%dma_start3A_69 : memref<10080xi32, #tpu.memory_space<hbm>>) target(%arg7 : memref<10080xi32, #tpu.memory_space<vmem>>) target_semaphore(%run_scoped3A : memref<!tpu.dma_semaphore, #tpu.memory_space<semaphore_mem>>)
      %dma_wait3A = arith.constant 0 : i32
      %dma_wait3A_70 = tpu.memref_slice %arg3[%add3A_22, %dma_wait3A] : memref<32x10080xi32, #tpu.memory_space<hbm>> -> memref<1x10080xi32, #tpu.memory_space<hbm>>
      %dma_wait3A_71 = tpu.memref_squeeze %dma_wait3A_70 : memref<1x10080xi32, #tpu.memory_space<hbm>> -> memref<10080xi32, #tpu.memory_space<hbm>>
      %dma_wait3A_72 = arith.constant 0 : i32
      %dma_wait3A_73 = tpu.memref_slice %arg3[%add3A_22, %dma_wait3A_72] : memref<32x10080xi32, #tpu.memory_space<hbm>> -> memref<1x10080xi32, #tpu.memory_space<hbm>>
      %dma_wait3A_74 = tpu.memref_squeeze %dma_wait3A_73 : memref<1x10080xi32, #tpu.memory_space<hbm>> -> memref<10080xi32, #tpu.memory_space<hbm>>
      tpu.wait_dma2 semaphore(%run_scoped3A : memref<!tpu.dma_semaphore, #tpu.memory_space<semaphore_mem>>) src(%dma_wait3A_74 : memref<10080xi32, #tpu.memory_space<hbm>>) dst(%arg7 : memref<10080xi32, #tpu.memory_space<vmem>>)
      tpu.yield
    }) : () -> ()
    "tpu.region"() ({
      %run_scoped3A = tpu.sem_alloc : memref<!tpu.dma_semaphore, #tpu.memory_space<semaphore_mem>>
      %dma_start3A_64 = arith.constant 0 : i32
      %dma_start3A_65 = arith.constant 0 : i32
      %dma_start3A_66 = tpu.memref_slice %arg4[%arg1, %dma_start3A_64, %dma_start3A_65] : memref<16x105x96xi32, #tpu.memory_space<hbm>> -> memref<1x105x96xi32, #tpu.memory_space<hbm>>
      %dma_start3A_67 = tpu.memref_squeeze %dma_start3A_66 : memref<1x105x96xi32, #tpu.memory_space<hbm>> -> memref<105x96xi32, #tpu.memory_space<hbm>>
      %dma_start3A_68 = arith.constant 0 : i32
      %dma_start3A_69 = arith.constant 0 : i32
      %dma_start3A_70 = tpu.memref_slice %arg4[%arg1, %dma_start3A_68, %dma_start3A_69] : memref<16x105x96xi32, #tpu.memory_space<hbm>> -> memref<1x105x96xi32, #tpu.memory_space<hbm>>
      %dma_start3A_71 = tpu.memref_squeeze %dma_start3A_70 : memref<1x105x96xi32, #tpu.memory_space<hbm>> -> memref<105x96xi32, #tpu.memory_space<hbm>>
      tpu.enqueue_dma source(%dma_start3A_71 : memref<105x96xi32, #tpu.memory_space<hbm>>) target(%arg8 : memref<105x96xi32, #tpu.memory_space<vmem>>) target_semaphore(%run_scoped3A : memref<!tpu.dma_semaphore, #tpu.memory_space<semaphore_mem>>)
      %dma_wait3A = arith.constant 0 : i32
      %dma_wait3A_72 = arith.constant 0 : i32
      %dma_wait3A_73 = tpu.memref_slice %arg4[%arg1, %dma_wait3A, %dma_wait3A_72] : memref<16x105x96xi32, #tpu.memory_space<hbm>> -> memref<1x105x96xi32, #tpu.memory_space<hbm>>
      %dma_wait3A_74 = tpu.memref_squeeze %dma_wait3A_73 : memref<1x105x96xi32, #tpu.memory_space<hbm>> -> memref<105x96xi32, #tpu.memory_space<hbm>>
      %dma_wait3A_75 = arith.constant 0 : i32
      %dma_wait3A_76 = arith.constant 0 : i32
      %dma_wait3A_77 = tpu.memref_slice %arg4[%arg1, %dma_wait3A_75, %dma_wait3A_76] : memref<16x105x96xi32, #tpu.memory_space<hbm>> -> memref<1x105x96xi32, #tpu.memory_space<hbm>>
      %dma_wait3A_78 = tpu.memref_squeeze %dma_wait3A_77 : memref<1x105x96xi32, #tpu.memory_space<hbm>> -> memref<105x96xi32, #tpu.memory_space<hbm>>
      tpu.wait_dma2 semaphore(%run_scoped3A : memref<!tpu.dma_semaphore, #tpu.memory_space<semaphore_mem>>) src(%dma_wait3A_78 : memref<105x96xi32, #tpu.memory_space<hbm>>) dst(%arg8 : memref<105x96xi32, #tpu.memory_space<vmem>>)
      tpu.yield
    }) : () -> ()
    %broadcast_in_dim3A = arith.constant 0.000000e+00 : f32
    %broadcast_in_dim3A_23 = vector.broadcast %broadcast_in_dim3A : f32 to vector<16xf32>
    %scan3A = arith.constant 0 : i32
    %scan3A_24 = arith.constant 0 : i32
    %scan3A_25 = arith.constant 640 : i32
    %scan3A_26 = arith.addi %scan3A_24, %scan3A_25 : i32
    %scan3A_27 = arith.constant 1 : i32
    scf.for %scan3A_64 = %scan3A_24 to %scan3A_26 step %scan3A_27  : i32 {
      %jit3A_65 = arith.constant 8 : i32
      %div3A_66 = arith.divsi %scan3A_64, %jit3A_65 : i32
      %sign3A_67 = arith.constant 0 : i32
      %sign3A_68 = arith.cmpi sgt, %scan3A_64, %sign3A_67 : i32
      %sign3A_69 = arith.extui %sign3A_68 : i1 to i32
      %sign3A_70 = arith.constant 0 : i32
      %sign3A_71 = arith.cmpi slt, %scan3A_64, %sign3A_70 : i32
      %sign3A_72 = arith.extui %sign3A_71 : i1 to i32
      %sign3A_73 = arith.subi %sign3A_69, %sign3A_72 : i32
      %sign3A_74 = arith.constant 0 : i32
      %sign3A_75 = arith.cmpi sgt, %jit3A_65, %sign3A_74 : i32
      %sign3A_76 = arith.extui %sign3A_75 : i1 to i32
      %sign3A_77 = arith.constant 0 : i32
      %sign3A_78 = arith.cmpi slt, %jit3A_65, %sign3A_77 : i32
      %sign3A_79 = arith.extui %sign3A_78 : i1 to i32
      %sign3A_80 = arith.subi %sign3A_76, %sign3A_79 : i32
      %ne3A_81 = arith.cmpi ne, %sign3A_73, %sign3A_80 : i32
      %rem3A_82 = arith.remsi %scan3A_64, %jit3A_65 : i32
      %ne3A_83 = arith.constant 0 : i32
      %ne3A_84 = arith.cmpi ne, %rem3A_82, %ne3A_83 : i32
      %and3A_85 = arith.andi %ne3A_81, %ne3A_84 : i1
      %sub3A_86 = arith.constant 1 : i32
      %sub3A_87 = arith.subi %div3A_66, %sub3A_86 : i32
      %select_n3A_88 = arith.select %and3A_85, %sub3A_87, %div3A_66 : i32
      %jit3A_89 = arith.constant 8 : i32
      %eq3A = arith.constant 0 : i32
      %eq3A_90 = arith.cmpi eq, %jit3A_89, %eq3A : i32
      %jit3A_91 = arith.constant 1 : i32
      %select_n3A_92 = arith.select %eq3A_90, %jit3A_91, %jit3A_89 : i32
      %rem3A_93 = arith.remsi %scan3A_64, %select_n3A_92 : i32
      %ne3A_94 = arith.constant 0 : i32
      %ne3A_95 = arith.cmpi ne, %rem3A_93, %ne3A_94 : i32
      %lt3A = arith.constant 0 : i32
      %lt3A_96 = arith.cmpi slt, %rem3A_93, %lt3A : i32
      %lt3A_97 = arith.constant 0 : i32
      %lt3A_98 = arith.cmpi slt, %select_n3A_92, %lt3A_97 : i32
      %ne3A_99 = arith.xori %lt3A_96, %lt3A_98 : i1
      %and3A_100 = arith.andi %ne3A_99, %ne3A_95 : i1
      %add3A_101 = arith.addi %rem3A_93, %select_n3A_92 : i32
      %select_n3A_102 = arith.select %and3A_100, %add3A_101, %rem3A_93 : i32
      %mul3A_103 = arith.constant 16 : i32
      %mul3A_104 = arith.muli %select_n3A_102, %mul3A_103 : i32
      %swap3A = arith.index_cast %select_n3A_88 : i32 to index
      %swap3A_105 = arith.index_cast %mul3A_104 : i32 to index
      %swap3A_106 = tpu.vector_load %arg9[%swap3A, %swap3A_105] {strides = array<i32>} : memref<96x128xf32, #tpu.memory_space<vmem>>, vector<1x16xf32>,
      %swap3A_107 = vector.shape_cast %swap3A_106 : vector<1x16xf32> to vector<16xf32>
      %swap3A_108 = vector.shape_cast %broadcast_in_dim3A_23 : vector<16xf32> to vector<1x16xf32>
      tpu.vector_store %arg9[%swap3A, %swap3A_105], %swap3A_108 {strides = array<i32>} : memref<96x128xf32, #tpu.memory_space<vmem>>, vector<1x16xf32>,
    }
    %scan3A_28 = arith.constant 640 : i32
    %while3A = arith.constant 0 : i32
    %while3A_29 = arith.constant 0 : i32
    %while3A_30 = arith.subi %select_n3A, %while3A_29 : i32
    %while3A_31 = arith.addi %while3A_29, %while3A_30 : i32
    %while3A_32 = arith.constant 1 : i32
    %while3A_33 = arith.divsi %while3A_30, %while3A_32 : i32
    %while3A_34 = arith.muli %while3A_33, %while3A_32 : i32
    %while3A_35 = arith.addi %while3A_29, %while3A_34 : i32
    %while3A_36 = arith.constant 1 : i32
    scf.for %while3A_64 = %while3A_29 to %while3A_35 step %while3A_36  : i32 {
      %mul3A_65 = arith.constant 16 : i32
      %mul3A_66 = arith.muli %while3A_64, %mul3A_65 : i32
      %add3A_67 = arith.addi %arg1, %mul3A_66 : i32
      %mul3A_68 = arith.constant 80 : i32
      %mul3A_69 = arith.muli %add3A_67, %mul3A_68 : i32
      "tpu.region"() ({
        %run_scoped3A = tpu.sem_alloc : memref<!tpu.dma_semaphore, #tpu.memory_space<semaphore_mem>>
        %dma_start3A_70 = arith.constant 0 : i32
        %dma_start3A_71 = arith.constant 0 : i32
        %dma_start3A_72 = tpu.memref_slice %arg9[%dma_start3A_70, %dma_start3A_71] : memref<96x128xf32, #tpu.memory_space<vmem>> -> memref<80x128xf32, #tpu.memory_space<vmem>>
        %dma_start3A_73 = arith.constant 0 : i32
        %dma_start3A_74 = tpu.memref_slice %arg6[%mul3A_69, %dma_start3A_73] : memref<10008x128xf32, #tpu.memory_space<vmem_shared>> -> memref<80x128xf32, #tpu.memory_space<vmem_shared>>
        %dma_start3A_75 = arith.constant 0 : i32
        %dma_start3A_76 = tpu.memref_slice %arg6[%mul3A_69, %dma_start3A_75] : memref<10008x128xf32, #tpu.memory_space<vmem_shared>> -> memref<80x128xf32, #tpu.memory_space<vmem_shared>>
        %dma_start3A_77 = arith.constant 0 : i32
        %dma_start3A_78 = arith.constant 0 : i32
        %dma_start3A_79 = tpu.memref_slice %arg9[%dma_start3A_77, %dma_start3A_78] : memref<96x128xf32, #tpu.memory_space<vmem>> -> memref<80x128xf32, #tpu.memory_space<vmem>>
        tpu.enqueue_dma source(%dma_start3A_79 : memref<80x128xf32, #tpu.memory_space<vmem>>) target(%dma_start3A_76 : memref<80x128xf32, #tpu.memory_space<vmem_shared>>) target_semaphore(%run_scoped3A : memref<!tpu.dma_semaphore, #tpu.memory_space<semaphore_mem>>)
        %dma_wait3A = arith.constant 0 : i32
        %dma_wait3A_80 = arith.constant 0 : i32
        %dma_wait3A_81 = tpu.memref_slice %arg9[%dma_wait3A, %dma_wait3A_80] : memref<96x128xf32, #tpu.memory_space<vmem>> -> memref<80x128xf32, #tpu.memory_space<vmem>>
        %dma_wait3A_82 = arith.constant 0 : i32
        %dma_wait3A_83 = tpu.memref_slice %arg6[%mul3A_69, %dma_wait3A_82] : memref<10008x128xf32, #tpu.memory_space<vmem_shared>> -> memref<80x128xf32, #tpu.memory_space<vmem_shared>>
        %dma_wait3A_84 = arith.constant 0 : i32
        %dma_wait3A_85 = tpu.memref_slice %arg6[%mul3A_69, %dma_wait3A_84] : memref<10008x128xf32, #tpu.memory_space<vmem_shared>> -> memref<80x128xf32, #tpu.memory_space<vmem_shared>>
        %dma_wait3A_86 = arith.constant 0 : i32
        %dma_wait3A_87 = arith.constant 0 : i32
        %dma_wait3A_88 = tpu.memref_slice %arg9[%dma_wait3A_86, %dma_wait3A_87] : memref<96x128xf32, #tpu.memory_space<vmem>> -> memref<80x128xf32, #tpu.memory_space<vmem>>
        tpu.wait_dma2 semaphore(%run_scoped3A : memref<!tpu.dma_semaphore, #tpu.memory_space<semaphore_mem>>) src(%dma_wait3A_88 : memref<80x128xf32, #tpu.memory_space<vmem>>) dst(%dma_wait3A_85 : memref<80x128xf32, #tpu.memory_space<vmem_shared>>)
        tpu.yield
      }) : () -> ()
    }
    %while3A_37 = arith.constant 1 : i32
    scf.for %while3A_64 = %while3A_35 to %while3A_31 step %while3A_37  : i32 {
      %mul3A_65 = arith.constant 16 : i32
      %mul3A_66 = arith.muli %while3A_64, %mul3A_65 : i32
      %add3A_67 = arith.addi %arg1, %mul3A_66 : i32
      %mul3A_68 = arith.constant 80 : i32
      %mul3A_69 = arith.muli %add3A_67, %mul3A_68 : i32
      "tpu.region"() ({
        %run_scoped3A = tpu.sem_alloc : memref<!tpu.dma_semaphore, #tpu.memory_space<semaphore_mem>>
        %dma_start3A_70 = arith.constant 0 : i32
        %dma_start3A_71 = arith.constant 0 : i32
        %dma_start3A_72 = tpu.memref_slice %arg9[%dma_start3A_70, %dma_start3A_71] : memref<96x128xf32, #tpu.memory_space<vmem>> -> memref<80x128xf32, #tpu.memory_space<vmem>>
        %dma_start3A_73 = arith.constant 0 : i32
        %dma_start3A_74 = tpu.memref_slice %arg6[%mul3A_69, %dma_start3A_73] : memref<10008x128xf32, #tpu.memory_space<vmem_shared>> -> memref<80x128xf32, #tpu.memory_space<vmem_shared>>
        %dma_start3A_75 = arith.constant 0 : i32
        %dma_start3A_76 = tpu.memref_slice %arg6[%mul3A_69, %dma_start3A_75] : memref<10008x128xf32, #tpu.memory_space<vmem_shared>> -> memref<80x128xf32, #tpu.memory_space<vmem_shared>>
        %dma_start3A_77 = arith.constant 0 : i32
        %dma_start3A_78 = arith.constant 0 : i32
        %dma_start3A_79 = tpu.memref_slice %arg9[%dma_start3A_77, %dma_start3A_78] : memref<96x128xf32, #tpu.memory_space<vmem>> -> memref<80x128xf32, #tpu.memory_space<vmem>>
        tpu.enqueue_dma source(%dma_start3A_79 : memref<80x128xf32, #tpu.memory_space<vmem>>) target(%dma_start3A_76 : memref<80x128xf32, #tpu.memory_space<vmem_shared>>) target_semaphore(%run_scoped3A : memref<!tpu.dma_semaphore, #tpu.memory_space<semaphore_mem>>)
        %dma_wait3A = arith.constant 0 : i32
        %dma_wait3A_80 = arith.constant 0 : i32
        %dma_wait3A_81 = tpu.memref_slice %arg9[%dma_wait3A, %dma_wait3A_80] : memref<96x128xf32, #tpu.memory_space<vmem>> -> memref<80x128xf32, #tpu.memory_space<vmem>>
        %dma_wait3A_82 = arith.constant 0 : i32
        %dma_wait3A_83 = tpu.memref_slice %arg6[%mul3A_69, %dma_wait3A_82] : memref<10008x128xf32, #tpu.memory_space<vmem_shared>> -> memref<80x128xf32, #tpu.memory_space<vmem_shared>>
        %dma_wait3A_84 = arith.constant 0 : i32
        %dma_wait3A_85 = tpu.memref_slice %arg6[%mul3A_69, %dma_wait3A_84] : memref<10008x128xf32, #tpu.memory_space<vmem_shared>> -> memref<80x128xf32, #tpu.memory_space<vmem_shared>>
        %dma_wait3A_86 = arith.constant 0 : i32
        %dma_wait3A_87 = arith.constant 0 : i32
        %dma_wait3A_88 = tpu.memref_slice %arg9[%dma_wait3A_86, %dma_wait3A_87] : memref<96x128xf32, #tpu.memory_space<vmem>> -> memref<80x128xf32, #tpu.memory_space<vmem>>
        tpu.wait_dma2 semaphore(%run_scoped3A : memref<!tpu.dma_semaphore, #tpu.memory_space<semaphore_mem>>) src(%dma_wait3A_88 : memref<80x128xf32, #tpu.memory_space<vmem>>) dst(%dma_wait3A_85 : memref<80x128xf32, #tpu.memory_space<vmem_shared>>)
        tpu.yield
      }) : () -> ()
    }
    %barrier3A = arith.constant 0 : index
    tpu.barrier barrier_id(%barrier3A)
    %dma_start3A = arith.constant 0 : i32
    %dma_start3A_38 = tpu.memref_slice %arg7[%dma_start3A] : memref<10080xi32, #tpu.memory_space<vmem>> -> memref<96xi32, #tpu.memory_space<vmem>>
    %dma_start3A_39 = arith.constant 0 : i32
    %dma_start3A_40 = arith.constant 0 : i32
    %dma_start3A_41 = tpu.memref_slice %arg2[%dma_start3A_39, %dma_start3A_40] : memref<20000x128xf32, #tpu.memory_space<hbm>> -> memref<20000x128xf32, #tpu.memory_space<hbm>>
    tpu.enqueue_indirect_dma source(%dma_start3A_41 : memref<20000x128xf32, #tpu.memory_space<hbm>>) target(%arg9 : memref<96x128xf32, #tpu.memory_space<vmem>>) offsets(%dma_start3A_38 : memref<96xi32, #tpu.memory_space<vmem>>) semaphore(%arg11 : memref<!tpu.dma_semaphore, #tpu.memory_space<semaphore_mem>>)
    %dma_start3A_42 = arith.constant 96 : i32
    %dma_start3A_43 = tpu.memref_slice %arg7[%dma_start3A_42] : memref<10080xi32, #tpu.memory_space<vmem>> -> memref<96xi32, #tpu.memory_space<vmem>>
    %dma_start3A_44 = arith.constant 0 : i32
    %dma_start3A_45 = arith.constant 0 : i32
    %dma_start3A_46 = tpu.memref_slice %arg2[%dma_start3A_44, %dma_start3A_45] : memref<20000x128xf32, #tpu.memory_space<hbm>> -> memref<20000x128xf32, #tpu.memory_space<hbm>>
    tpu.enqueue_indirect_dma source(%dma_start3A_46 : memref<20000x128xf32, #tpu.memory_space<hbm>>) target(%arg10 : memref<96x128xf32, #tpu.memory_space<vmem>>) offsets(%dma_start3A_43 : memref<96xi32, #tpu.memory_space<vmem>>) semaphore(%arg12 : memref<!tpu.dma_semaphore, #tpu.memory_space<semaphore_mem>>)
    %scan3A_47 = arith.constant 0 : i32
    %scan3A_48 = arith.constant 0 : i32
    %scan3A_49 = arith.constant 53 : i32
    %scan3A_50 = arith.addi %scan3A_48, %scan3A_49 : i32
    %scan3A_51 = arith.constant 1 : i32
    scf.for %scan3A_64 = %scan3A_48 to %scan3A_50 step %scan3A_51  : i32 {
      %mul3A_65 = arith.constant 2 : i32
      %mul3A_66 = arith.muli %mul3A_65, %scan3A_64 : i32
      %mul3A_67 = arith.constant 2 : i32
      %mul3A_68 = arith.muli %mul3A_67, %scan3A_64 : i32
      %add3A_69 = arith.constant 1 : i32
      %add3A_70 = arith.addi %mul3A_68, %add3A_69 : i32
      %mul3A_71 = arith.constant 96 : i32
      %mul3A_72 = arith.muli %mul3A_66, %mul3A_71 : i32
      %dma_wait3A = tpu.memref_slice %arg7[%mul3A_72] : memref<10080xi32, #tpu.memory_space<vmem>> -> memref<96xi32, #tpu.memory_space<vmem>>
      %dma_wait3A_73 = arith.constant 0 : i32
      %dma_wait3A_74 = arith.constant 0 : i32
      %dma_wait3A_75 = tpu.memref_slice %arg2[%dma_wait3A_73, %dma_wait3A_74] : memref<20000x128xf32, #tpu.memory_space<hbm>> -> memref<20000x128xf32, #tpu.memory_space<hbm>>
      tpu.wait_indirect_dma semaphore(%arg11 : memref<!tpu.dma_semaphore, #tpu.memory_space<semaphore_mem>>) src(%dma_wait3A_75 : memref<20000x128xf32, #tpu.memory_space<hbm>>) dst(%arg9 : memref<96x128xf32, #tpu.memory_space<vmem>>)
      "tpu.region"() ({
        %run_scoped3A = tpu.sem_alloc : memref<!tpu.dma_semaphore, #tpu.memory_space<semaphore_mem>>
        %dma_start3A_85 = arith.constant 0 : i32
        %dma_start3A_86 = tpu.memref_slice %arg8[%mul3A_66, %dma_start3A_85] : memref<105x96xi32, #tpu.memory_space<vmem>> -> memref<1x96xi32, #tpu.memory_space<vmem>>
        %dma_start3A_87 = tpu.memref_squeeze %dma_start3A_86 : memref<1x96xi32, #tpu.memory_space<vmem>> -> memref<96xi32, #tpu.memory_space<vmem>>
        %dma_start3A_88 = arith.constant 0 : i32
        %dma_start3A_89 = arith.constant 0 : i32
        %dma_start3A_90 = tpu.memref_slice %arg6[%dma_start3A_88, %dma_start3A_89] : memref<10008x128xf32, #tpu.memory_space<vmem_shared>> -> memref<10008x128xf32, #tpu.memory_space<vmem_shared>>
        tpu.enqueue_indirect_dma source(%arg9 : memref<96x128xf32, #tpu.memory_space<vmem>>) target(%dma_start3A_90 : memref<10008x128xf32, #tpu.memory_space<vmem_shared>>) offsets(%dma_start3A_87 : memref<96xi32, #tpu.memory_space<vmem>>) semaphore(%run_scoped3A : memref<!tpu.dma_semaphore, #tpu.memory_space<semaphore_mem>>) {add = true}
        %dma_wait3A_91 = arith.constant 0 : i32
        %dma_wait3A_92 = tpu.memref_slice %arg8[%mul3A_66, %dma_wait3A_91] : memref<105x96xi32, #tpu.memory_space<vmem>> -> memref<1x96xi32, #tpu.memory_space<vmem>>
        %dma_wait3A_93 = tpu.memref_squeeze %dma_wait3A_92 : memref<1x96xi32, #tpu.memory_space<vmem>> -> memref<96xi32, #tpu.memory_space<vmem>>
        %dma_wait3A_94 = arith.constant 0 : i32
        %dma_wait3A_95 = arith.constant 0 : i32
        %dma_wait3A_96 = tpu.memref_slice %arg6[%dma_wait3A_94, %dma_wait3A_95] : memref<10008x128xf32, #tpu.memory_space<vmem_shared>> -> memref<10008x128xf32, #tpu.memory_space<vmem_shared>>
        tpu.wait_indirect_dma semaphore(%run_scoped3A : memref<!tpu.dma_semaphore, #tpu.memory_space<semaphore_mem>>) src(%arg9 : memref<96x128xf32, #tpu.memory_space<vmem>>) dst(%dma_wait3A_96 : memref<10008x128xf32, #tpu.memory_space<vmem_shared>>)
        tpu.yield
      }) : () -> ()
      %add3A_76 = arith.constant 2 : i32
      %add3A_77 = arith.addi %mul3A_66, %add3A_76 : i32
      %lt3A = arith.constant 105 : i32
      %lt3A_78 = arith.cmpi slt, %add3A_77, %lt3A : i32
      %convert_element_type3A = arith.extui %lt3A_78 : i1 to i32
      %cond3A = arith.constant 0 : i32
      %cond3A_79 = arith.cmpi ne, %convert_element_type3A, %cond3A : i32
      scf.if %cond3A_79 {
        %add3A_85 = arith.constant 2 : i32
        %add3A_86 = arith.addi %mul3A_66, %add3A_85 : i32
        %mul3A_87 = arith.constant 96 : i32
        %mul3A_88 = arith.muli %add3A_86, %mul3A_87 : i32
        %dma_start3A_89 = tpu.memref_slice %arg7[%mul3A_88] : memref<10080xi32, #tpu.memory_space<vmem>> -> memref<96xi32, #tpu.memory_space<vmem>>
        %dma_start3A_90 = arith.constant 0 : i32
        %dma_start3A_91 = arith.constant 0 : i32
        %dma_start3A_92 = tpu.memref_slice %arg2[%dma_start3A_90, %dma_start3A_91] : memref<20000x128xf32, #tpu.memory_space<hbm>> -> memref<20000x128xf32, #tpu.memory_space<hbm>>
        tpu.enqueue_indirect_dma source(%dma_start3A_92 : memref<20000x128xf32, #tpu.memory_space<hbm>>) target(%arg9 : memref<96x128xf32, #tpu.memory_space<vmem>>) offsets(%dma_start3A_89 : memref<96xi32, #tpu.memory_space<vmem>>) semaphore(%arg11 : memref<!tpu.dma_semaphore, #tpu.memory_space<semaphore_mem>>)
      } else {
      }
      %lt3A_80 = arith.constant 105 : i32
      %lt3A_81 = arith.cmpi slt, %add3A_70, %lt3A_80 : i32
      %convert_element_type3A_82 = arith.extui %lt3A_81 : i1 to i32
      %cond3A_83 = arith.constant 0 : i32
      %cond3A_84 = arith.cmpi ne, %convert_element_type3A_82, %cond3A_83 : i32
      scf.if %cond3A_84 {
        %mul3A_85 = arith.constant 96 : i32
        %mul3A_86 = arith.muli %add3A_70, %mul3A_85 : i32
        %dma_wait3A_87 = tpu.memref_slice %arg7[%mul3A_86] : memref<10080xi32, #tpu.memory_space<vmem>> -> memref<96xi32, #tpu.memory_space<vmem>>
        %dma_wait3A_88 = arith.constant 0 : i32
        %dma_wait3A_89 = arith.constant 0 : i32
        %dma_wait3A_90 = tpu.memref_slice %arg2[%dma_wait3A_88, %dma_wait3A_89] : memref<20000x128xf32, #tpu.memory_space<hbm>> -> memref<20000x128xf32, #tpu.memory_space<hbm>>
        tpu.wait_indirect_dma semaphore(%arg12 : memref<!tpu.dma_semaphore, #tpu.memory_space<semaphore_mem>>) src(%dma_wait3A_90 : memref<20000x128xf32, #tpu.memory_space<hbm>>) dst(%arg10 : memref<96x128xf32, #tpu.memory_space<vmem>>)
        "tpu.region"() ({
          %run_scoped3A = tpu.sem_alloc : memref<!tpu.dma_semaphore, #tpu.memory_space<semaphore_mem>>
          %dma_start3A_98 = arith.constant 0 : i32
          %dma_start3A_99 = tpu.memref_slice %arg8[%add3A_70, %dma_start3A_98] : memref<105x96xi32, #tpu.memory_space<vmem>> -> memref<1x96xi32, #tpu.memory_space<vmem>>
          %dma_start3A_100 = tpu.memref_squeeze %dma_start3A_99 : memref<1x96xi32, #tpu.memory_space<vmem>> -> memref<96xi32, #tpu.memory_space<vmem>>
          %dma_start3A_101 = arith.constant 0 : i32
          %dma_start3A_102 = arith.constant 0 : i32
          %dma_start3A_103 = tpu.memref_slice %arg6[%dma_start3A_101, %dma_start3A_102] : memref<10008x128xf32, #tpu.memory_space<vmem_shared>> -> memref<10008x128xf32, #tpu.memory_space<vmem_shared>>
          tpu.enqueue_indirect_dma source(%arg10 : memref<96x128xf32, #tpu.memory_space<vmem>>) target(%dma_start3A_103 : memref<10008x128xf32, #tpu.memory_space<vmem_shared>>) offsets(%dma_start3A_100 : memref<96xi32, #tpu.memory_space<vmem>>) semaphore(%run_scoped3A : memref<!tpu.dma_semaphore, #tpu.memory_space<semaphore_mem>>) {add = true}
          %dma_wait3A_104 = arith.constant 0 : i32
          %dma_wait3A_105 = tpu.memref_slice %arg8[%add3A_70, %dma_wait3A_104] : memref<105x96xi32, #tpu.memory_space<vmem>> -> memref<1x96xi32, #tpu.memory_space<vmem>>
          %dma_wait3A_106 = tpu.memref_squeeze %dma_wait3A_105 : memref<1x96xi32, #tpu.memory_space<vmem>> -> memref<96xi32, #tpu.memory_space<vmem>>
          %dma_wait3A_107 = arith.constant 0 : i32
          %dma_wait3A_108 = arith.constant 0 : i32
          %dma_wait3A_109 = tpu.memref_slice %arg6[%dma_wait3A_107, %dma_wait3A_108] : memref<10008x128xf32, #tpu.memory_space<vmem_shared>> -> memref<10008x128xf32, #tpu.memory_space<vmem_shared>>
          tpu.wait_indirect_dma semaphore(%run_scoped3A : memref<!tpu.dma_semaphore, #tpu.memory_space<semaphore_mem>>) src(%arg10 : memref<96x128xf32, #tpu.memory_space<vmem>>) dst(%dma_wait3A_109 : memref<10008x128xf32, #tpu.memory_space<vmem_shared>>)
          tpu.yield
        }) : () -> ()
        %add3A_91 = arith.constant 2 : i32
        %add3A_92 = arith.addi %add3A_70, %add3A_91 : i32
        %lt3A_93 = arith.constant 105 : i32
        %lt3A_94 = arith.cmpi slt, %add3A_92, %lt3A_93 : i32
        %convert_element_type3A_95 = arith.extui %lt3A_94 : i1 to i32
        %cond3A_96 = arith.constant 0 : i32
        %cond3A_97 = arith.cmpi ne, %convert_element_type3A_95, %cond3A_96 : i32
        scf.if %cond3A_97 {
          %add3A_98 = arith.constant 2 : i32
          %add3A_99 = arith.addi %add3A_70, %add3A_98 : i32
          %mul3A_100 = arith.constant 96 : i32
          %mul3A_101 = arith.muli %add3A_99, %mul3A_100 : i32
          %dma_start3A_102 = tpu.memref_slice %arg7[%mul3A_101] : memref<10080xi32, #tpu.memory_space<vmem>> -> memref<96xi32, #tpu.memory_space<vmem>>
          %dma_start3A_103 = arith.constant 0 : i32
          %dma_start3A_104 = arith.constant 0 : i32
          %dma_start3A_105 = tpu.memref_slice %arg2[%dma_start3A_103, %dma_start3A_104] : memref<20000x128xf32, #tpu.memory_space<hbm>> -> memref<20000x128xf32, #tpu.memory_space<hbm>>
          tpu.enqueue_indirect_dma source(%dma_start3A_105 : memref<20000x128xf32, #tpu.memory_space<hbm>>) target(%arg10 : memref<96x128xf32, #tpu.memory_space<vmem>>) offsets(%dma_start3A_102 : memref<96xi32, #tpu.memory_space<vmem>>) semaphore(%arg12 : memref<!tpu.dma_semaphore, #tpu.memory_space<semaphore_mem>>)
        } else {
        }
      } else {
      }
    }
    %scan3A_52 = arith.constant 53 : i32
    %barrier3A_53 = arith.constant 0 : index
    tpu.barrier barrier_id(%barrier3A_53)
    %while3A_54 = arith.constant 0 : i32
    %while3A_55 = arith.constant 0 : i32
    %while3A_56 = arith.subi %select_n3A, %while3A_55 : i32
    %while3A_57 = arith.addi %while3A_55, %while3A_56 : i32
    %while3A_58 = arith.constant 1 : i32
    %while3A_59 = arith.divsi %while3A_56, %while3A_58 : i32
    %while3A_60 = arith.muli %while3A_59, %while3A_58 : i32
    %while3A_61 = arith.addi %while3A_55, %while3A_60 : i32
    %while3A_62 = arith.constant 1 : i32
    scf.for %while3A_64 = %while3A_55 to %while3A_61 step %while3A_62  : i32 {
      %mul3A_65 = arith.constant 16 : i32
      %mul3A_66 = arith.muli %while3A_64, %mul3A_65 : i32
      %add3A_67 = arith.addi %arg1, %mul3A_66 : i32
      %mul3A_68 = arith.constant 80 : i32
      %mul3A_69 = arith.muli %add3A_67, %mul3A_68 : i32
      %mul3A_70 = arith.constant 10000 : i32
      %mul3A_71 = arith.muli %arg0, %mul3A_70 : i32
      %mul3A_72 = arith.constant 80 : i32
      %mul3A_73 = arith.muli %add3A_67, %mul3A_72 : i32
      %add3A_74 = arith.addi %mul3A_71, %mul3A_73 : i32
      "tpu.region"() ({
        %run_scoped3A = tpu.sem_alloc : memref<!tpu.dma_semaphore, #tpu.memory_space<semaphore_mem>>
        %dma_start3A_75 = arith.constant 0 : i32
        %dma_start3A_76 = tpu.memref_slice %arg5[%add3A_74, %dma_start3A_75] : memref<20000x128xf32, #tpu.memory_space<hbm>> -> memref<80x128xf32, #tpu.memory_space<hbm>>
        %dma_start3A_77 = arith.constant 0 : i32
        %dma_start3A_78 = tpu.memref_slice %arg6[%mul3A_69, %dma_start3A_77] : memref<10008x128xf32, #tpu.memory_space<vmem_shared>> -> memref<80x128xf32, #tpu.memory_space<vmem_shared>>
        tpu.enqueue_dma source(%dma_start3A_78 : memref<80x128xf32, #tpu.memory_space<vmem_shared>>) target(%dma_start3A_76 : memref<80x128xf32, #tpu.memory_space<hbm>>) target_semaphore(%run_scoped3A : memref<!tpu.dma_semaphore, #tpu.memory_space<semaphore_mem>>)
        %dma_wait3A = arith.constant 0 : i32
        %dma_wait3A_79 = tpu.memref_slice %arg5[%add3A_74, %dma_wait3A] : memref<20000x128xf32, #tpu.memory_space<hbm>> -> memref<80x128xf32, #tpu.memory_space<hbm>>
        %dma_wait3A_80 = arith.constant 0 : i32
        %dma_wait3A_81 = tpu.memref_slice %arg6[%mul3A_69, %dma_wait3A_80] : memref<10008x128xf32, #tpu.memory_space<vmem_shared>> -> memref<80x128xf32, #tpu.memory_space<vmem_shared>>
        tpu.wait_dma2 semaphore(%run_scoped3A : memref<!tpu.dma_semaphore, #tpu.memory_space<semaphore_mem>>) src(%dma_wait3A_81 : memref<80x128xf32, #tpu.memory_space<vmem_shared>>) dst(%dma_wait3A_79 : memref<80x128xf32, #tpu.memory_space<hbm>>)
        tpu.yield
      }) : () -> ()
    }
    %while3A_63 = arith.constant 1 : i32
    scf.for %while3A_64 = %while3A_61 to %while3A_57 step %while3A_63  : i32 {
      %mul3A_65 = arith.constant 16 : i32
      %mul3A_66 = arith.muli %while3A_64, %mul3A_65 : i32
      %add3A_67 = arith.addi %arg1, %mul3A_66 : i32
      %mul3A_68 = arith.constant 80 : i32
      %mul3A_69 = arith.muli %add3A_67, %mul3A_68 : i32
      %mul3A_70 = arith.constant 10000 : i32
      %mul3A_71 = arith.muli %arg0, %mul3A_70 : i32
      %mul3A_72 = arith.constant 80 : i32
      %mul3A_73 = arith.muli %add3A_67, %mul3A_72 : i32
      %add3A_74 = arith.addi %mul3A_71, %mul3A_73 : i32
      "tpu.region"() ({
        %run_scoped3A = tpu.sem_alloc : memref<!tpu.dma_semaphore, #tpu.memory_space<semaphore_mem>>
        %dma_start3A_75 = arith.constant 0 : i32
        %dma_start3A_76 = tpu.memref_slice %arg5[%add3A_74, %dma_start3A_75] : memref<20000x128xf32, #tpu.memory_space<hbm>> -> memref<80x128xf32, #tpu.memory_space<hbm>>
        %dma_start3A_77 = arith.constant 0 : i32
        %dma_start3A_78 = tpu.memref_slice %arg6[%mul3A_69, %dma_start3A_77] : memref<10008x128xf32, #tpu.memory_space<vmem_shared>> -> memref<80x128xf32, #tpu.memory_space<vmem_shared>>
        tpu.enqueue_dma source(%dma_start3A_78 : memref<80x128xf32, #tpu.memory_space<vmem_shared>>) target(%dma_start3A_76 : memref<80x128xf32, #tpu.memory_space<hbm>>) target_semaphore(%run_scoped3A : memref<!tpu.dma_semaphore, #tpu.memory_space<semaphore_mem>>)
        %dma_wait3A = arith.constant 0 : i32
        %dma_wait3A_79 = tpu.memref_slice %arg5[%add3A_74, %dma_wait3A] : memref<20000x128xf32, #tpu.memory_space<hbm>> -> memref<80x128xf32, #tpu.memory_space<hbm>>
        %dma_wait3A_80 = arith.constant 0 : i32
        %dma_wait3A_81 = tpu.memref_slice %arg6[%mul3A_69, %dma_wait3A_80] : memref<10008x128xf32, #tpu.memory_space<vmem_shared>> -> memref<80x128xf32, #tpu.memory_space<vmem_shared>>
        tpu.wait_dma2 semaphore(%run_scoped3A : memref<!tpu.dma_semaphore, #tpu.memory_space<semaphore_mem>>) src(%dma_wait3A_81 : memref<80x128xf32, #tpu.memory_space<vmem_shared>>) dst(%dma_wait3A_79 : memref<80x128xf32, #tpu.memory_space<hbm>>)
        tpu.yield
      }) : () -> ()
    }
    return
  }
}

#map = affine_map<(d0, d1) -> (0)>
module attributes {stable_mosaic.version = 14 : i64} {
  func.func @body(%arg0: i32, %arg1: i32, %arg2: memref<20000xf32, #tpu.memory_space<hbm>>, %arg3: memref<160000xi32, #tpu.memory_space<hbm>>, %arg4: memref<160000xi32, #tpu.memory_space<hbm>>, %arg5: memref<160000xf32, #tpu.memory_space<hbm>>, %arg6: memref<20000xf32, #tpu.memory_space<vmem>>, %arg7: memref<5008xi32, #tpu.memory_space<vmem>>, %arg8: memref<5008xi32, #tpu.memory_space<vmem>>, %arg9: memref<5008xf32, #tpu.memory_space<vmem>>) attributes {dimension_semantics = [#tpu.dimension_semantics<core_parallel>, #tpu.dimension_semantics<subcore_parallel>], iteration_bounds = array<i64: 2, 16>, scalar_prefetch = 0 : i64, scratch_operands = 4 : i64, tpu.core_type = #tpu.core_type<sc_vector_subcore>, window_params = [{transform_indices = #map}, {transform_indices = #map}, {transform_indices = #map}, {transform_indices = #map}]} {
    %mul3A = arith.constant 2 : i32
    %mul3A_0 = arith.muli %arg1, %mul3A : i32
    %add3A = arith.addi %mul3A_0, %arg0 : i32
    %mul3A_1 = arith.constant 5000 : i32
    %mul3A_2 = arith.muli %add3A, %mul3A_1 : i32
    "tpu.region"() ({
      %run_scoped3A = tpu.sem_alloc : memref<!tpu.dma_semaphore, #tpu.memory_space<semaphore_mem>>
      tpu.enqueue_dma source(%arg2 : memref<20000xf32, #tpu.memory_space<hbm>>) target(%arg6 : memref<20000xf32, #tpu.memory_space<vmem>>) target_semaphore(%run_scoped3A : memref<!tpu.dma_semaphore, #tpu.memory_space<semaphore_mem>>)
      tpu.wait_dma2 semaphore(%run_scoped3A : memref<!tpu.dma_semaphore, #tpu.memory_space<semaphore_mem>>) src(%arg2 : memref<20000xf32, #tpu.memory_space<hbm>>) dst(%arg6 : memref<20000xf32, #tpu.memory_space<vmem>>)
      tpu.yield
    }) : () -> ()
    "tpu.region"() ({
      %run_scoped3A = tpu.sem_alloc : memref<!tpu.dma_semaphore, #tpu.memory_space<semaphore_mem>>
      %dma_start3A = arith.constant 0 : i32
      %dma_start3A_8 = tpu.memref_slice %arg7[%dma_start3A] : memref<5008xi32, #tpu.memory_space<vmem>> -> memref<5000xi32, #tpu.memory_space<vmem>>
      %dma_start3A_9 = tpu.memref_slice %arg3[%mul3A_2] : memref<160000xi32, #tpu.memory_space<hbm>> -> memref<5000xi32, #tpu.memory_space<hbm>>
      %dma_start3A_10 = arith.constant 0 : i32
      %dma_start3A_11 = tpu.memref_slice %arg7[%dma_start3A_10] : memref<5008xi32, #tpu.memory_space<vmem>> -> memref<5000xi32, #tpu.memory_space<vmem>>
      %dma_start3A_12 = tpu.memref_slice %arg3[%mul3A_2] : memref<160000xi32, #tpu.memory_space<hbm>> -> memref<5000xi32, #tpu.memory_space<hbm>>
      tpu.enqueue_dma source(%dma_start3A_12 : memref<5000xi32, #tpu.memory_space<hbm>>) target(%dma_start3A_11 : memref<5000xi32, #tpu.memory_space<vmem>>) target_semaphore(%run_scoped3A : memref<!tpu.dma_semaphore, #tpu.memory_space<semaphore_mem>>)
      %dma_wait3A = arith.constant 0 : i32
      %dma_wait3A_13 = tpu.memref_slice %arg7[%dma_wait3A] : memref<5008xi32, #tpu.memory_space<vmem>> -> memref<5000xi32, #tpu.memory_space<vmem>>
      %dma_wait3A_14 = tpu.memref_slice %arg3[%mul3A_2] : memref<160000xi32, #tpu.memory_space<hbm>> -> memref<5000xi32, #tpu.memory_space<hbm>>
      %dma_wait3A_15 = arith.constant 0 : i32
      %dma_wait3A_16 = tpu.memref_slice %arg7[%dma_wait3A_15] : memref<5008xi32, #tpu.memory_space<vmem>> -> memref<5000xi32, #tpu.memory_space<vmem>>
      %dma_wait3A_17 = tpu.memref_slice %arg3[%mul3A_2] : memref<160000xi32, #tpu.memory_space<hbm>> -> memref<5000xi32, #tpu.memory_space<hbm>>
      tpu.wait_dma2 semaphore(%run_scoped3A : memref<!tpu.dma_semaphore, #tpu.memory_space<semaphore_mem>>) src(%dma_wait3A_17 : memref<5000xi32, #tpu.memory_space<hbm>>) dst(%dma_wait3A_16 : memref<5000xi32, #tpu.memory_space<vmem>>)
      tpu.yield
    }) : () -> ()
    "tpu.region"() ({
      %run_scoped3A = tpu.sem_alloc : memref<!tpu.dma_semaphore, #tpu.memory_space<semaphore_mem>>
      %dma_start3A = arith.constant 0 : i32
      %dma_start3A_8 = tpu.memref_slice %arg8[%dma_start3A] : memref<5008xi32, #tpu.memory_space<vmem>> -> memref<5000xi32, #tpu.memory_space<vmem>>
      %dma_start3A_9 = tpu.memref_slice %arg4[%mul3A_2] : memref<160000xi32, #tpu.memory_space<hbm>> -> memref<5000xi32, #tpu.memory_space<hbm>>
      %dma_start3A_10 = arith.constant 0 : i32
      %dma_start3A_11 = tpu.memref_slice %arg8[%dma_start3A_10] : memref<5008xi32, #tpu.memory_space<vmem>> -> memref<5000xi32, #tpu.memory_space<vmem>>
      %dma_start3A_12 = tpu.memref_slice %arg4[%mul3A_2] : memref<160000xi32, #tpu.memory_space<hbm>> -> memref<5000xi32, #tpu.memory_space<hbm>>
      tpu.enqueue_dma source(%dma_start3A_12 : memref<5000xi32, #tpu.memory_space<hbm>>) target(%dma_start3A_11 : memref<5000xi32, #tpu.memory_space<vmem>>) target_semaphore(%run_scoped3A : memref<!tpu.dma_semaphore, #tpu.memory_space<semaphore_mem>>)
      %dma_wait3A = arith.constant 0 : i32
      %dma_wait3A_13 = tpu.memref_slice %arg8[%dma_wait3A] : memref<5008xi32, #tpu.memory_space<vmem>> -> memref<5000xi32, #tpu.memory_space<vmem>>
      %dma_wait3A_14 = tpu.memref_slice %arg4[%mul3A_2] : memref<160000xi32, #tpu.memory_space<hbm>> -> memref<5000xi32, #tpu.memory_space<hbm>>
      %dma_wait3A_15 = arith.constant 0 : i32
      %dma_wait3A_16 = tpu.memref_slice %arg8[%dma_wait3A_15] : memref<5008xi32, #tpu.memory_space<vmem>> -> memref<5000xi32, #tpu.memory_space<vmem>>
      %dma_wait3A_17 = tpu.memref_slice %arg4[%mul3A_2] : memref<160000xi32, #tpu.memory_space<hbm>> -> memref<5000xi32, #tpu.memory_space<hbm>>
      tpu.wait_dma2 semaphore(%run_scoped3A : memref<!tpu.dma_semaphore, #tpu.memory_space<semaphore_mem>>) src(%dma_wait3A_17 : memref<5000xi32, #tpu.memory_space<hbm>>) dst(%dma_wait3A_16 : memref<5000xi32, #tpu.memory_space<vmem>>)
      tpu.yield
    }) : () -> ()
    %scan3A = arith.constant 0 : i32
    %scan3A_3 = arith.constant 0 : i32
    %scan3A_4 = arith.constant 313 : i32
    %scan3A_5 = arith.addi %scan3A_3, %scan3A_4 : i32
    %scan3A_6 = arith.constant 1 : i32
    scf.for %scan3A_8 = %scan3A_3 to %scan3A_5 step %scan3A_6  : i32 {
      %mul3A_9 = arith.constant 16 : i32
      %mul3A_10 = arith.muli %scan3A_8, %mul3A_9 : i32
      %get3A = arith.index_cast %mul3A_10 : i32 to index
      %get3A_11 = tpu.vector_load %arg7[%get3A] {strides = array<i32>} : memref<5008xi32, #tpu.memory_space<vmem>>, vector<16xi32>,
      %min3A = arith.constant 9999 : i32
      %min3A_12 = vector.broadcast %min3A : i32 to vector<16xi32>
      %min3A_13 = arith.minsi %get3A_11, %min3A_12 : vector<16xi32>
      %max3A = arith.constant 0 : i32
      %max3A_14 = vector.broadcast %max3A : i32 to vector<16xi32>
      %max3A_15 = arith.maxsi %min3A_13, %max3A_14 : vector<16xi32>
      %mul3A_16 = arith.constant 16 : i32
      %mul3A_17 = arith.muli %scan3A_8, %mul3A_16 : i32
      %get3A_18 = arith.index_cast %mul3A_17 : i32 to index
      %get3A_19 = tpu.vector_load %arg8[%get3A_18] {strides = array<i32>} : memref<5008xi32, #tpu.memory_space<vmem>>, vector<16xi32>,
      %min3A_20 = arith.constant 9999 : i32
      %min3A_21 = vector.broadcast %min3A_20 : i32 to vector<16xi32>
      %min3A_22 = arith.minsi %get3A_19, %min3A_21 : vector<16xi32>
      %max3A_23 = arith.constant 0 : i32
      %max3A_24 = vector.broadcast %max3A_23 : i32 to vector<16xi32>
      %max3A_25 = arith.maxsi %min3A_22, %max3A_24 : vector<16xi32>
      %mul3A_26 = arith.constant 2 : i32
      %mul3A_27 = vector.broadcast %mul3A_26 : i32 to vector<16xi32>
      %mul3A_28 = arith.muli %max3A_15, %mul3A_27 : vector<16xi32>
      %gather3A = tpu.vector_load_idx %arg6[%mul3A_28] : memref<20000xf32, #tpu.memory_space<vmem>>[vector<16xi32>], vector<16xf32>,
      %mul3A_29 = arith.constant 2 : i32
      %mul3A_30 = vector.broadcast %mul3A_29 : i32 to vector<16xi32>
      %mul3A_31 = arith.muli %max3A_25, %mul3A_30 : vector<16xi32>
      %add3A_32 = arith.constant 1 : i32
      %add3A_33 = vector.broadcast %add3A_32 : i32 to vector<16xi32>
      %add3A_34 = arith.addi %mul3A_31, %add3A_33 : vector<16xi32>
      %gather3A_35 = tpu.vector_load_idx %arg6[%add3A_34] : memref<20000xf32, #tpu.memory_space<vmem>>[vector<16xi32>], vector<16xf32>,
      %add3A_36 = arith.addf %gather3A, %gather3A_35 : vector<16xf32>
      %mul3A_37 = arith.constant 16 : i32
      %mul3A_38 = arith.muli %scan3A_8, %mul3A_37 : i32
      %swap3A = arith.index_cast %mul3A_38 : i32 to index
      %swap3A_39 = tpu.vector_load %arg9[%swap3A] {strides = array<i32>} : memref<5008xf32, #tpu.memory_space<vmem>>, vector<16xf32>,
      tpu.vector_store %arg9[%swap3A], %add3A_36 {strides = array<i32>} : memref<5008xf32, #tpu.memory_space<vmem>>, vector<16xf32>,
    }
    %scan3A_7 = arith.constant 313 : i32
    "tpu.region"() ({
      %run_scoped3A = tpu.sem_alloc : memref<!tpu.dma_semaphore, #tpu.memory_space<semaphore_mem>>
      %dma_start3A = arith.constant 0 : i32
      %dma_start3A_8 = tpu.memref_slice %arg9[%dma_start3A] : memref<5008xf32, #tpu.memory_space<vmem>> -> memref<5000xf32, #tpu.memory_space<vmem>>
      %dma_start3A_9 = tpu.memref_slice %arg5[%mul3A_2] : memref<160000xf32, #tpu.memory_space<hbm>> -> memref<5000xf32, #tpu.memory_space<hbm>>
      %dma_start3A_10 = tpu.memref_slice %arg5[%mul3A_2] : memref<160000xf32, #tpu.memory_space<hbm>> -> memref<5000xf32, #tpu.memory_space<hbm>>
      %dma_start3A_11 = arith.constant 0 : i32
      %dma_start3A_12 = tpu.memref_slice %arg9[%dma_start3A_11] : memref<5008xf32, #tpu.memory_space<vmem>> -> memref<5000xf32, #tpu.memory_space<vmem>>
      tpu.enqueue_dma source(%dma_start3A_12 : memref<5000xf32, #tpu.memory_space<vmem>>) target(%dma_start3A_10 : memref<5000xf32, #tpu.memory_space<hbm>>) target_semaphore(%run_scoped3A : memref<!tpu.dma_semaphore, #tpu.memory_space<semaphore_mem>>)
      %dma_wait3A = arith.constant 0 : i32
      %dma_wait3A_13 = tpu.memref_slice %arg9[%dma_wait3A] : memref<5008xf32, #tpu.memory_space<vmem>> -> memref<5000xf32, #tpu.memory_space<vmem>>
      %dma_wait3A_14 = tpu.memref_slice %arg5[%mul3A_2] : memref<160000xf32, #tpu.memory_space<hbm>> -> memref<5000xf32, #tpu.memory_space<hbm>>
      %dma_wait3A_15 = tpu.memref_slice %arg5[%mul3A_2] : memref<160000xf32, #tpu.memory_space<hbm>> -> memref<5000xf32, #tpu.memory_space<hbm>>
      %dma_wait3A_16 = arith.constant 0 : i32
      %dma_wait3A_17 = tpu.memref_slice %arg9[%dma_wait3A_16] : memref<5008xf32, #tpu.memory_space<vmem>> -> memref<5000xf32, #tpu.memory_space<vmem>>
      tpu.wait_dma2 semaphore(%run_scoped3A : memref<!tpu.dma_semaphore, #tpu.memory_space<semaphore_mem>>) src(%dma_wait3A_17 : memref<5000xf32, #tpu.memory_space<vmem>>) dst(%dma_wait3A_15 : memref<5000xf32, #tpu.memory_space<hbm>>)
      tpu.yield
    }) : () -> ()
    return
  }
}

module attributes {stable_mosaic.version = 14 : i64} {
  func.func @body(%arg0: i32, %arg1: memref<1000x256xf32, #tpu.memory_space<vmem>>, %arg2: memref<256x256xf32, #tpu.memory_space<vmem>>, %arg3: memref<1000x256xf32, #tpu.memory_space<vmem>>) attributes {dimension_semantics = [#tpu.dimension_semantics<arbitrary>], iteration_bounds = array<i64: 10>, scalar_prefetch = 0 : i64, scratch_operands = 0 : i64, tpu.core_type = #tpu.core_type<tc>, window_params = [{transform_indices = @transform_0, window_bounds = array<i64: 1000, 256>}, {pipeline_mode = #tpu.pipeline_mode<synchronous>, transform_indices = @transform_1, window_bounds = array<i64: 256, 256>}, {transform_indices = @transform_2, window_bounds = array<i64: 1000, 256>}]} {
    %get3A = arith.constant 0 : index
    %get3A_0 = arith.constant 0 : index
    %get3A_1 = vector.load %arg1[%get3A, %get3A_0] : memref<1000x256xf32, #tpu.memory_space<vmem>>, vector<1000x256xf32>
    %get3A_2 = arith.constant 0 : index
    %get3A_3 = arith.constant 0 : index
    %get3A_4 = vector.load %arg2[%get3A_2, %get3A_3] : memref<256x256xf32, #tpu.memory_space<vmem>>, vector<256x256xf32>
    %dot_general3A = arith.constant dense<0.000000e+00> : vector<1000x256xf32>
    %dot_general3A_5 = tpu.matmul %get3A_1, %get3A_4, %dot_general3A {dimension_numbers = #tpu.dot_dimension_numbers<[1], [0], [0], [1], [0, 0, 1, 1], [], []>, precision = #tpu.contract_precision<fp32>, transpose_lhs_hint = false} : vector<1000x256xf32>, vector<256x256xf32>, vector<1000x256xf32> -> vector<1000x256xf32>
    %swap3A = arith.constant 0 : index
    %swap3A_6 = arith.constant 0 : index
    %swap3A_7 = vector.load %arg3[%swap3A, %swap3A_6] : memref<1000x256xf32, #tpu.memory_space<vmem>>, vector<1000x256xf32>
    tpu.vector_store %arg3[%swap3A, %swap3A_6], %dot_general3A_5 {strides = array<i32>} : memref<1000x256xf32, #tpu.memory_space<vmem>>, vector<1000x256xf32>,
    return
  }
  func.func @transform_0(%arg0: i32) -> (i32, i32) {
    %c0_i32 = arith.constant 0 : i32
    %c0_i32_0 = arith.constant 0 : i32
    return %arg0, %c0_i32 : i32, i32
  }
  func.func @transform_1(%arg0: i32) -> (i32, i32) {
    %c0_i32 = arith.constant 0 : i32
    %c0_i32_0 = arith.constant 0 : i32
    %c0_i32_1 = arith.constant 0 : i32
    return %c0_i32, %c0_i32_0 : i32, i32
  }
  func.func @transform_2(%arg0: i32) -> (i32, i32) {
    %c0_i32 = arith.constant 0 : i32
    %c0_i32_0 = arith.constant 0 : i32
    return %arg0, %c0_i32 : i32, i32
  }
}

module attributes {stable_mosaic.version = 14 : i64} {
  func.func @body(%arg0: i32, %arg1: memref<1000x256xf32, #tpu.memory_space<vmem>>, %arg2: memref<2x1000x128xf32, #tpu.memory_space<vmem>>, %arg3: memref<256x256xf32, #tpu.memory_space<vmem>>, %arg4: memref<1x256xf32, #tpu.memory_space<vmem>>, %arg5: memref<256x2xf32, #tpu.memory_space<vmem>>, %arg6: memref<1000x256xf32, #tpu.memory_space<vmem>>, %arg7: memref<1000x2xf32, #tpu.memory_space<vmem>>) attributes {dimension_semantics = [#tpu.dimension_semantics<arbitrary>], iteration_bounds = array<i64: 10>, scalar_prefetch = 0 : i64, scratch_operands = 0 : i64, tpu.core_type = #tpu.core_type<tc>, window_params = [{transform_indices = @transform_0, window_bounds = array<i64: 1000, 256>}, {transform_indices = @transform_1, window_bounds = array<i64: 2, 1000, 128>}, {pipeline_mode = #tpu.pipeline_mode<synchronous>, transform_indices = @transform_2, window_bounds = array<i64: 256, 256>}, {pipeline_mode = #tpu.pipeline_mode<synchronous>, transform_indices = @transform_3, window_bounds = array<i64: 1, 256>}, {pipeline_mode = #tpu.pipeline_mode<synchronous>, transform_indices = @transform_4, window_bounds = array<i64: 256, 2>}, {transform_indices = @transform_5, window_bounds = array<i64: 1000, 256>}, {transform_indices = @transform_6, window_bounds = array<i64: 1000, 2>}]} {
    %get3A = arith.constant 0 : index
    %get3A_0 = arith.constant 0 : index
    %get3A_1 = arith.constant 0 : index
    %get3A_2 = vector.load %arg2[%get3A, %get3A_0, %get3A_1] : memref<2x1000x128xf32, #tpu.memory_space<vmem>>, vector<1x1000x128xf32>
    %get3A_3 = vector.shape_cast %get3A_2 : vector<1x1000x128xf32> to vector<1000x128xf32>
    %get3A_4 = arith.constant 1 : index
    %get3A_5 = arith.constant 0 : index
    %get3A_6 = arith.constant 0 : index
    %get3A_7 = vector.load %arg2[%get3A_4, %get3A_5, %get3A_6] : memref<2x1000x128xf32, #tpu.memory_space<vmem>>, vector<1x1000x128xf32>
    %get3A_8 = vector.shape_cast %get3A_7 : vector<1x1000x128xf32> to vector<1000x128xf32>
    %get3A_9 = arith.constant 0 : index
    %get3A_10 = arith.constant 0 : index
    %get3A_11 = vector.load %arg3[%get3A_9, %get3A_10] : memref<256x256xf32, #tpu.memory_space<vmem>>, vector<128x256xf32>
    %dot_general3A = arith.constant dense<0.000000e+00> : vector<1000x256xf32>
    %dot_general3A_12 = tpu.matmul %get3A_3, %get3A_11, %dot_general3A {dimension_numbers = #tpu.dot_dimension_numbers<[1], [0], [0], [1], [0, 0, 1, 1], [], []>, precision = #tpu.contract_precision<fp32>, transpose_lhs_hint = false} : vector<1000x128xf32>, vector<128x256xf32>, vector<1000x256xf32> -> vector<1000x256xf32>
    %get3A_13 = arith.constant 128 : index
    %get3A_14 = arith.constant 0 : index
    %get3A_15 = vector.load %arg3[%get3A_13, %get3A_14] : memref<256x256xf32, #tpu.memory_space<vmem>>, vector<128x256xf32>
    %dot_general3A_16 = arith.constant dense<0.000000e+00> : vector<1000x256xf32>
    %dot_general3A_17 = tpu.matmul %get3A_8, %get3A_15, %dot_general3A_16 {dimension_numbers = #tpu.dot_dimension_numbers<[1], [0], [0], [1], [0, 0, 1, 1], [], []>, precision = #tpu.contract_precision<fp32>, transpose_lhs_hint = false} : vector<1000x128xf32>, vector<128x256xf32>, vector<1000x256xf32> -> vector<1000x256xf32>
    %add3A = arith.addf %dot_general3A_12, %dot_general3A_17 : vector<1000x256xf32>
    %get3A_18 = arith.constant 0 : index
    %get3A_19 = arith.constant 0 : index
    %get3A_20 = vector.load %arg1[%get3A_18, %get3A_19] : memref<1000x256xf32, #tpu.memory_space<vmem>>, vector<1000x256xf32>
    %add3A_21 = arith.addf %get3A_20, %add3A : vector<1000x256xf32>
    %get3A_22 = arith.constant 0 : index
    %get3A_23 = arith.constant 0 : index
    %get3A_24 = vector.load %arg4[%get3A_22, %get3A_23] : memref<1x256xf32, #tpu.memory_space<vmem>>, vector<1x256xf32>
    %add3A_25 = vector.broadcast %get3A_24 : vector<1x256xf32> to vector<1000x256xf32>
    %add3A_26 = arith.addf %add3A_21, %add3A_25 : vector<1000x256xf32>
    %max3A = arith.constant 0.000000e+00 : f32
    %max3A_27 = vector.broadcast %max3A : f32 to vector<1000x256xf32>
    %max3A_28 = arith.maximumf %add3A_26, %max3A_27 : vector<1000x256xf32>
    %swap3A = arith.constant 0 : index
    %swap3A_29 = arith.constant 0 : index
    %swap3A_30 = vector.load %arg6[%swap3A, %swap3A_29] : memref<1000x256xf32, #tpu.memory_space<vmem>>, vector<1000x256xf32>
    tpu.vector_store %arg6[%swap3A, %swap3A_29], %max3A_28 {strides = array<i32>} : memref<1000x256xf32, #tpu.memory_space<vmem>>, vector<1000x256xf32>,
    %get3A_31 = arith.constant 0 : index
    %get3A_32 = arith.constant 0 : index
    %get3A_33 = vector.load %arg5[%get3A_31, %get3A_32] : memref<256x2xf32, #tpu.memory_space<vmem>>, vector<256x2xf32>
    %dot_general3A_34 = arith.constant dense<0.000000e+00> : vector<1000x2xf32>
    %dot_general3A_35 = tpu.matmul %max3A_28, %get3A_33, %dot_general3A_34 {dimension_numbers = #tpu.dot_dimension_numbers<[1], [0], [0], [1], [0, 0, 1, 1], [], []>, precision = #tpu.contract_precision<fp32>, transpose_lhs_hint = false} : vector<1000x256xf32>, vector<256x2xf32>, vector<1000x2xf32> -> vector<1000x2xf32>
    %swap3A_36 = arith.constant 0 : index
    %swap3A_37 = arith.constant 0 : index
    %swap3A_38 = vector.load %arg7[%swap3A_36, %swap3A_37] : memref<1000x2xf32, #tpu.memory_space<vmem>>, vector<1000x2xf32>
    tpu.vector_store %arg7[%swap3A_36, %swap3A_37], %dot_general3A_35 {strides = array<i32>} : memref<1000x2xf32, #tpu.memory_space<vmem>>, vector<1000x2xf32>,
    return
  }
  func.func @transform_0(%arg0: i32) -> (i32, i32) {
    %c0_i32 = arith.constant 0 : i32
    %c0_i32_0 = arith.constant 0 : i32
    return %arg0, %c0_i32 : i32, i32
  }
  func.func @transform_1(%arg0: i32) -> (i32, i32, i32) {
    %c0_i32 = arith.constant 0 : i32
    %c0_i32_0 = arith.constant 0 : i32
    %c0_i32_1 = arith.constant 0 : i32
    return %c0_i32, %arg0, %c0_i32_0 : i32, i32, i32
  }
  func.func @transform_2(%arg0: i32) -> (i32, i32) {
    %c0_i32 = arith.constant 0 : i32
    %c0_i32_0 = arith.constant 0 : i32
    %c0_i32_1 = arith.constant 0 : i32
    return %c0_i32, %c0_i32_0 : i32, i32
  }
  func.func @transform_3(%arg0: i32) -> (i32, i32) {
    %c0_i32 = arith.constant 0 : i32
    %c0_i32_0 = arith.constant 0 : i32
    %c0_i32_1 = arith.constant 0 : i32
    return %c0_i32, %c0_i32_0 : i32, i32
  }
  func.func @transform_4(%arg0: i32) -> (i32, i32) {
    %c0_i32 = arith.constant 0 : i32
    %c0_i32_0 = arith.constant 0 : i32
    %c0_i32_1 = arith.constant 0 : i32
    return %c0_i32, %c0_i32_0 : i32, i32
  }
  func.func @transform_5(%arg0: i32) -> (i32, i32) {
    %c0_i32 = arith.constant 0 : i32
    %c0_i32_0 = arith.constant 0 : i32
    return %arg0, %c0_i32 : i32, i32
  }
  func.func @transform_6(%arg0: i32) -> (i32, i32) {
    %c0_i32 = arith.constant 0 : i32
    %c0_i32_0 = arith.constant 0 : i32
    return %arg0, %c0_i32 : i32, i32
  }
}

module attributes {stable_mosaic.version = 14 : i64} {
  func.func @body(%arg0: i32, %arg1: memref<1000x256xf32, #tpu.memory_space<vmem>>, %arg2: memref<256x256xf32, #tpu.memory_space<vmem>>, %arg3: memref<1x256xf32, #tpu.memory_space<vmem>>, %arg4: memref<1x256xf32, #tpu.memory_space<vmem>>, %arg5: memref<1x1xf32, #tpu.memory_space<vmem>>) attributes {dimension_semantics = [#tpu.dimension_semantics<arbitrary>], iteration_bounds = array<i64: 10>, scalar_prefetch = 0 : i64, scratch_operands = 0 : i64, tpu.core_type = #tpu.core_type<tc>, window_params = [{transform_indices = @transform_0, window_bounds = array<i64: 1000, 256>}, {pipeline_mode = #tpu.pipeline_mode<synchronous>, transform_indices = @transform_1, window_bounds = array<i64: 256, 256>}, {pipeline_mode = #tpu.pipeline_mode<synchronous>, transform_indices = @transform_2, window_bounds = array<i64: 1, 256>}, {pipeline_mode = #tpu.pipeline_mode<synchronous>, transform_indices = @transform_3, window_bounds = array<i64: 1, 256>}, {pipeline_mode = #tpu.pipeline_mode<synchronous>, transform_indices = @transform_4, window_bounds = array<i64: 1, 1>}]} {
    %get3A = arith.constant 0 : index
    %get3A_0 = arith.constant 0 : index
    %get3A_1 = vector.load %arg1[%get3A, %get3A_0] : memref<1000x256xf32, #tpu.memory_space<vmem>>, vector<1000x256xf32>
    %get3A_2 = arith.constant 0 : index
    %get3A_3 = arith.constant 0 : index
    %get3A_4 = vector.load %arg2[%get3A_2, %get3A_3] : memref<256x256xf32, #tpu.memory_space<vmem>>, vector<256x256xf32>
    %dot_general3A = arith.constant dense<0.000000e+00> : vector<1000x256xf32>
    %dot_general3A_5 = tpu.matmul %get3A_1, %get3A_4, %dot_general3A {dimension_numbers = #tpu.dot_dimension_numbers<[1], [0], [0], [1], [0, 0, 1, 1], [], []>, precision = #tpu.contract_precision<fp32>, transpose_lhs_hint = false} : vector<1000x256xf32>, vector<256x256xf32>, vector<1000x256xf32> -> vector<1000x256xf32>
    %get3A_6 = arith.constant 0 : index
    %get3A_7 = arith.constant 0 : index
    %get3A_8 = vector.load %arg3[%get3A_6, %get3A_7] : memref<1x256xf32, #tpu.memory_space<vmem>>, vector<1x256xf32>
    %add3A = vector.broadcast %get3A_8 : vector<1x256xf32> to vector<1000x256xf32>
    %add3A_9 = arith.addf %dot_general3A_5, %add3A : vector<1000x256xf32>
    %max3A = arith.constant 0.000000e+00 : f32
    %max3A_10 = vector.broadcast %max3A : f32 to vector<1000x256xf32>
    %max3A_11 = arith.maximumf %add3A_9, %max3A_10 : vector<1000x256xf32>
    %get3A_12 = arith.constant 0 : index
    %get3A_13 = arith.constant 0 : index
    %get3A_14 = vector.load %arg4[%get3A_12, %get3A_13] : memref<1x256xf32, #tpu.memory_space<vmem>>, vector<1x256xf32>
    %mul3A = vector.broadcast %get3A_14 : vector<1x256xf32> to vector<1000x256xf32>
    %mul3A_15 = arith.mulf %max3A_11, %mul3A : vector<1000x256xf32>
    %reduce_sum3A = vector.shape_cast %mul3A_15 : vector<1000x256xf32> to vector<1x1000x256xf32>
    %reduce_sum3A_16 = arith.constant dense<0.000000e+00> : vector<1xf32>
    %reduce_sum3A_17 = vector.multi_reduction <add>, %reduce_sum3A, %reduce_sum3A_16 [1, 2] : vector<1x1000x256xf32> to vector<1xf32>
    %reduce_sum3A_18 = vector.shape_cast %reduce_sum3A_17 : vector<1xf32> to vector<1x1x1xf32>
    %reduce_sum3A_19 = vector.extract %reduce_sum3A_18[0, 0, 0] : f32 from vector<1x1x1xf32>
    %eq3A = arith.constant 0 : i32
    %eq3A_20 = arith.cmpi eq, %arg0, %eq3A : i32
    %convert_element_type3A = arith.extui %eq3A_20 : i1 to i32
    %cond3A = arith.constant 0 : i32
    %cond3A_21 = arith.cmpi ne, %convert_element_type3A, %cond3A : i32
    scf.if %cond3A_21 {
      %broadcast_in_dim3A = arith.constant 0.000000e+00 : f32
      %broadcast_in_dim3A_28 = vector.broadcast %broadcast_in_dim3A : f32 to vector<1x1xf32>
      %swap3A_29 = arith.constant 0 : index
      %swap3A_30 = arith.constant 0 : index
      %swap3A_31 = vector.load %arg5[%swap3A_29, %swap3A_30] : memref<1x1xf32, #tpu.memory_space<vmem>>, vector<1x1xf32>
      tpu.vector_store %arg5[%swap3A_29, %swap3A_30], %broadcast_in_dim3A_28 {strides = array<i32>} : memref<1x1xf32, #tpu.memory_space<vmem>>, vector<1x1xf32>,
    } else {
    }
    %get3A_22 = arith.constant 0 : index
    %get3A_23 = arith.constant 0 : index
    %get3A_24 = vector.load %arg5[%get3A_22, %get3A_23] : memref<1x1xf32, #tpu.memory_space<vmem>>, vector<1x1xf32>
    %reshape3A = vector.broadcast %reduce_sum3A_19 : f32 to vector<1x1xf32>
    %add3A_25 = arith.addf %get3A_24, %reshape3A : vector<1x1xf32>
    %swap3A = arith.constant 0 : index
    %swap3A_26 = arith.constant 0 : index
    %swap3A_27 = vector.load %arg5[%swap3A, %swap3A_26] : memref<1x1xf32, #tpu.memory_space<vmem>>, vector<1x1xf32>
    tpu.vector_store %arg5[%swap3A, %swap3A_26], %add3A_25 {strides = array<i32>} : memref<1x1xf32, #tpu.memory_space<vmem>>, vector<1x1xf32>,
    return
  }
  func.func @transform_0(%arg0: i32) -> (i32, i32) {
    %c0_i32 = arith.constant 0 : i32
    %c0_i32_0 = arith.constant 0 : i32
    return %arg0, %c0_i32 : i32, i32
  }
  func.func @transform_1(%arg0: i32) -> (i32, i32) {
    %c0_i32 = arith.constant 0 : i32
    %c0_i32_0 = arith.constant 0 : i32
    %c0_i32_1 = arith.constant 0 : i32
    return %c0_i32, %c0_i32_0 : i32, i32
  }
  func.func @transform_2(%arg0: i32) -> (i32, i32) {
    %c0_i32 = arith.constant 0 : i32
    %c0_i32_0 = arith.constant 0 : i32
    %c0_i32_1 = arith.constant 0 : i32
    return %c0_i32, %c0_i32_0 : i32, i32
  }
  func.func @transform_3(%arg0: i32) -> (i32, i32) {
    %c0_i32 = arith.constant 0 : i32
    %c0_i32_0 = arith.constant 0 : i32
    %c0_i32_1 = arith.constant 0 : i32
    return %c0_i32, %c0_i32_0 : i32, i32
  }
  func.func @transform_4(%arg0: i32) -> (i32, i32) {
    %c0_i32 = arith.constant 0 : i32
    %c0_i32_0 = arith.constant 0 : i32
    %c0_i32_1 = arith.constant 0 : i32
    return %c0_i32, %c0_i32_0 : i32, i32
  }
}

module attributes {stable_mosaic.version = 14 : i64} {
  func.func @body(%arg0: memref<1250x128xf32, #tpu.memory_space<vmem>>, %arg1: memref<1250x128xf32, #tpu.memory_space<vmem>>, %arg2: memref<1x1xf32, #tpu.memory_space<vmem>>, %arg3: memref<1x1xf32, #tpu.memory_space<vmem>>, %arg4: memref<1x1xi32, #tpu.memory_space<vmem>>, %arg5: memref<1x1xf32, #tpu.memory_space<vmem>>, %arg6: memref<1x1xf32, #tpu.memory_space<vmem>>) attributes {dimension_semantics = [], scalar_prefetch = 0 : i64, scratch_operands = 0 : i64, tpu.core_type = #tpu.core_type<tc>} {
    %get3A = arith.constant 0 : index
    %get3A_0 = arith.constant 0 : index
    %get3A_1 = vector.load %arg0[%get3A, %get3A_0] : memref<1250x128xf32, #tpu.memory_space<vmem>>, vector<1250x128xf32>
    %reduce_max3A = vector.shape_cast %get3A_1 : vector<1250x128xf32> to vector<1x1250x128xf32>
    %reduce_max3A_2 = arith.constant dense<0xFF800000> : vector<1xf32>
    %reduce_max3A_3 = vector.multi_reduction <maximumf>, %reduce_max3A, %reduce_max3A_2 [1, 2] : vector<1x1250x128xf32> to vector<1xf32>
    %reduce_max3A_4 = vector.shape_cast %reduce_max3A_3 : vector<1xf32> to vector<1x1x1xf32>
    %reduce_max3A_5 = vector.extract %reduce_max3A_4[0, 0, 0] : f32 from vector<1x1x1xf32>
    %sub3A = vector.broadcast %reduce_max3A_5 : f32 to vector<1250x128xf32>
    %sub3A_6 = arith.subf %get3A_1, %sub3A : vector<1250x128xf32>
    %exp3A = math.exp %sub3A_6 : vector<1250x128xf32>
    %reduce_sum3A = vector.shape_cast %exp3A : vector<1250x128xf32> to vector<1x1250x128xf32>
    %reduce_sum3A_7 = arith.constant dense<0.000000e+00> : vector<1xf32>
    %reduce_sum3A_8 = vector.multi_reduction <add>, %reduce_sum3A, %reduce_sum3A_7 [1, 2] : vector<1x1250x128xf32> to vector<1xf32>
    %reduce_sum3A_9 = vector.shape_cast %reduce_sum3A_8 : vector<1xf32> to vector<1x1x1xf32>
    %reduce_sum3A_10 = vector.extract %reduce_sum3A_9[0, 0, 0] : f32 from vector<1x1x1xf32>
    %div3A = vector.broadcast %reduce_sum3A_10 : f32 to vector<1250x128xf32>
    %div3A_11 = arith.divf %exp3A, %div3A : vector<1250x128xf32>
    %add3A = arith.constant 9.99999996E-13 : f32
    %add3A_12 = vector.broadcast %add3A : f32 to vector<1250x128xf32>
    %add3A_13 = arith.addf %div3A_11, %add3A_12 : vector<1250x128xf32>
    %log3A = math.log %add3A_13 : vector<1250x128xf32>
    %get3A_14 = arith.constant 0 : index
    %get3A_15 = arith.constant 0 : index
    %get3A_16 = vector.load %arg1[%get3A_14, %get3A_15] : memref<1250x128xf32, #tpu.memory_space<vmem>>, vector<1250x128xf32>
    %add3A_17 = arith.addf %get3A_16, %log3A : vector<1250x128xf32>
    %reduce_max3A_18 = vector.shape_cast %add3A_17 : vector<1250x128xf32> to vector<1x1250x128xf32>
    %reduce_max3A_19 = arith.constant dense<0xFF800000> : vector<1xf32>
    %reduce_max3A_20 = vector.multi_reduction <maximumf>, %reduce_max3A_18, %reduce_max3A_19 [1, 2] : vector<1x1250x128xf32> to vector<1xf32>
    %reduce_max3A_21 = vector.shape_cast %reduce_max3A_20 : vector<1xf32> to vector<1x1x1xf32>
    %reduce_max3A_22 = vector.extract %reduce_max3A_21[0, 0, 0] : f32 from vector<1x1x1xf32>
    %iota3A = tpu.iota {dimensions = array<i32: 0>} : vector<1250x128xi32>
    %iota3A_23 = tpu.iota {dimensions = array<i32: 1>} : vector<1250x128xi32>
    %mul3A = arith.constant 128 : i32
    %mul3A_24 = vector.broadcast %mul3A : i32 to vector<1250x128xi32>
    %mul3A_25 = arith.muli %iota3A, %mul3A_24 : vector<1250x128xi32>
    %add3A_26 = arith.addi %mul3A_25, %iota3A_23 : vector<1250x128xi32>
    %eq3A = vector.broadcast %reduce_max3A_22 : f32 to vector<1250x128xf32>
    %eq3A_27 = arith.cmpf oeq, %add3A_17, %eq3A : vector<1250x128xf32>
    %jit3A = arith.constant 2147483647 : i32
    %broadcast_in_dim3A = vector.broadcast %jit3A : i32 to vector<1250x128xi32>
    %select_n3A = arith.select %eq3A_27, %add3A_26, %broadcast_in_dim3A : vector<1250x128xi1>, vector<1250x128xi32>
    %reduce_min3A = vector.shape_cast %select_n3A : vector<1250x128xi32> to vector<1x1250x128xi32>
    %reduce_min3A_28 = arith.constant dense<2147483647> : vector<1xi32>
    %reduce_min3A_29 = vector.multi_reduction <minsi>, %reduce_min3A, %reduce_min3A_28 [1, 2] : vector<1x1250x128xi32> to vector<1xi32>
    %reduce_min3A_30 = vector.shape_cast %reduce_min3A_29 : vector<1xi32> to vector<1x1x1xi32>
    %reduce_min3A_31 = vector.extract %reduce_min3A_30[0, 0, 0] : i32 from vector<1x1x1xi32>
    %reshape3A = vector.broadcast %reduce_min3A_31 : i32 to vector<1x1xi32>
    %swap3A = arith.constant 0 : index
    %swap3A_32 = arith.constant 0 : index
    %swap3A_33 = vector.load %arg4[%swap3A, %swap3A_32] : memref<1x1xi32, #tpu.memory_space<vmem>>, vector<1x1xi32>
    tpu.vector_store %arg4[%swap3A, %swap3A_32], %reshape3A {strides = array<i32>} : memref<1x1xi32, #tpu.memory_space<vmem>>, vector<1x1xi32>,
    %eq3A_34 = vector.broadcast %reduce_min3A_31 : i32 to vector<1250x128xi32>
    %eq3A_35 = arith.cmpi eq, %add3A_26, %eq3A_34 : vector<1250x128xi32>
    %jit3A_36 = arith.constant 0.000000e+00 : f32
    %broadcast_in_dim3A_37 = vector.broadcast %jit3A_36 : f32 to vector<1250x128xf32>
    %select_n3A_38 = arith.select %eq3A_35, %log3A, %broadcast_in_dim3A_37 : vector<1250x128xi1>, vector<1250x128xf32>
    %reduce_sum3A_39 = vector.shape_cast %select_n3A_38 : vector<1250x128xf32> to vector<1x1250x128xf32>
    %reduce_sum3A_40 = arith.constant dense<0.000000e+00> : vector<1xf32>
    %reduce_sum3A_41 = vector.multi_reduction <add>, %reduce_sum3A_39, %reduce_sum3A_40 [1, 2] : vector<1x1250x128xf32> to vector<1xf32>
    %reduce_sum3A_42 = vector.shape_cast %reduce_sum3A_41 : vector<1xf32> to vector<1x1x1xf32>
    %reduce_sum3A_43 = vector.extract %reduce_sum3A_42[0, 0, 0] : f32 from vector<1x1x1xf32>
    %reshape3A_44 = vector.broadcast %reduce_sum3A_43 : f32 to vector<1x1xf32>
    %swap3A_45 = arith.constant 0 : index
    %swap3A_46 = arith.constant 0 : index
    %swap3A_47 = vector.load %arg5[%swap3A_45, %swap3A_46] : memref<1x1xf32, #tpu.memory_space<vmem>>, vector<1x1xf32>
    tpu.vector_store %arg5[%swap3A_45, %swap3A_46], %reshape3A_44 {strides = array<i32>} : memref<1x1xf32, #tpu.memory_space<vmem>>, vector<1x1xf32>,
    %get3A_48 = arith.constant 0 : index
    %get3A_49 = arith.constant 0 : index
    %get3A_50 = vector.load %arg2[%get3A_48, %get3A_49] : memref<1x1xf32, #tpu.memory_space<vmem>>, vector<1x1xf32>
    %div3A_51 = arith.constant 1.000000e+04 : f32
    %div3A_52 = vector.broadcast %div3A_51 : f32 to vector<1x1xf32>
    %div3A_53 = arith.divf %get3A_50, %div3A_52 : vector<1x1xf32>
    %get3A_54 = arith.constant 0 : index
    %get3A_55 = arith.constant 0 : index
    %get3A_56 = vector.load %arg3[%get3A_54, %get3A_55] : memref<1x1xf32, #tpu.memory_space<vmem>>, vector<1x1xf32>
    %add3A_57 = arith.addf %div3A_53, %get3A_56 : vector<1x1xf32>
    %swap3A_58 = arith.constant 0 : index
    %swap3A_59 = arith.constant 0 : index
    %swap3A_60 = vector.load %arg6[%swap3A_58, %swap3A_59] : memref<1x1xf32, #tpu.memory_space<vmem>>, vector<1x1xf32>
    tpu.vector_store %arg6[%swap3A_58, %swap3A_59], %add3A_57 {strides = array<i32>} : memref<1x1xf32, #tpu.memory_space<vmem>>, vector<1x1xf32>,
    return
  }
}

</mosaic_0001>

<sc_bundles>
// kernel: kernel.11.cloned.1.call-start
scs
__scs_entry_jumppad:
0x0: {  	(pc) =	sbr.rel $0x88, $3  }
0x1: {  	(tag) =	ssettag $0x0;
	lr =	simm.s32 $0x1  }
0x2: {  	[smem:$0x3F97] =	sst lr;
	_ =	strace $0xD0000000  }
0x3: {  	_ = 	snop  }
0x4: {  	_ = 	snop  }
0x5: {  	_ = 	snop  }
0x6: {  	_ = 	snop  }
0x7: {  	_ = 	snop  }
__scs_overlays_trampoline_lowered:
0x8: {  	[smem:$0x3FA6] =	sst s0  }
0x9: {  	[smem:$0x3FA7] =	sst s1  }
0xa: {  	[smem:$0x3FA8] =	sst s2  }
0xb: {  	[smem:$0x3FA9] =	sst s3  }
0xc: {  	[smem:$0x3FAA] =	sst s4  }
0xd: {  	[smem:$0x3FAB] =	sst s5  }
0xe: {  	[smem:$0x3FAC] =	sst s6  }
0xf: {  	[smem:$0x3FAD] =	sst s7  }
0x10: {  	[smem:$0x3FAE] =	sst s8  }
0x11: {  	[smem:$0x3FAF] =	sst s9;
	s0 =	simm.s32 @!p0 $0x0  }
0x12: {  	s1 =	sld [smem:$0x3F95];
	s0 =	simm.s32 @p0 $0x1  }
0x13: {  	[smem:$0x3FB0] =	sst s0;
	s0 =	simm.s32 @!p1 $0x0  }
0x14: {  	s2 =	sld [smem:$0x3F94];
	s0 =	simm.s32 @p1 $0x1  }
0x15: {  	[smem:$0x3FB1] =	sst s0;
	s0 =	simm.s32 @!p2 $0x0  }
0x16: {  	s3 =	sld [smem:$0x3FDB];
	s0 =	simm.s32 @p2 $0x1  }
0x17: {  	s4 =	simm.s32 $0x1BF5;
	[smem:$0x3FB3] =	sst s0  }
0x18: {  	s0 =	sld [smem:$0x3F96];
	_ =	swait.ge [sflag:s4], $0x0  }
0x19: {  	s7 =	sld [smem:$0x3F97]  }
0x1a: {  	s8 =	sadd.s32 $0xFFFFE003, lr  }
0x1b: {  	s9 =	sadd.s32 $0xFFFFFEF7, lr;
	s5 =	simm.s32 $0xFFFFFFFF;
	p2 =	slt.u32 s8, $0xFFFFF086  }
0x1c: {  	p1 =	slt.u32 s9, $0xF7A;
	s5 =	simm.s32 @!p2 $0x0  }
0x1d: {  	s5 =	simm.s32 @p1 $0x1;
	p0 =	seq.s32 s7, s2  }
0x1e: {  	s7 =	smul.u32 @!p0 $0xF7A, s2;
	p2 =	seq.s32 @!p0 s5, $0x0  }
0x1f: {  	s9 =	smul.u32 $0xF7A, s1;
	s8 =	simm.s32 @!p0 $0x1BF5;
	p2 =	por !p2, p0  }
0x20: {  	[sflag:s8] =	ssyncset.s32 @!p0 $0xFFFFF086;
	s6 =	sadd.s32 @!p0 s3, s7;
	s7 =	simm.s32 @!p0 $0x108  }
0x21: {  	s3 =	sadd.s32 s3, s9;
	s6 =	sadd.s32 @!p0 $0x88, s6;
	s7 =	simm.s32 @p2 $0x1082  }
0x22: {  	[simem:s7], [sflag:s8] =	dma.local @!p0 [hbm:s6], $0xF7A  }
0x23: {  	s9 =	sor.u32 $0xD0000000, s2;
	s6 =	simm.s32 $0x108;
	_ =	swait.ge @!p0 [sflag:s8], $0x0  }
0x24: {  	s3 =	sadd.s32 $0x88, s3;
	s6 =	simm.s32 @!p1 $0x1082;
	[sflag:s4] =	ssyncset.s32 $0xFFFFF086  }
0x25: {  	[simem:s6], [sflag:s4] =	dma.local [hbm:s3], $0xF7A  }
0x26: {  	[smem:$0x3F97] =	sst s1;
	(tag) =	ssettag s2;
	_ =	strace s9  }
0x27: {  	s1 =	sld [smem:$0x3FA7]  }
0x28: {  	s2 =	sld [smem:$0x3FA8]  }
0x29: {  	s4 =	sld [smem:$0x3FAA]  }
0x2a: {  	p0 =	seq.s32 s5, $0x0;
	s5 =	sld [smem:$0x3FAB]  }
0x2b: {  	s6 =	sld [smem:$0x3FAC]  }
0x2c: {  	s7 =	sld [smem:$0x3FAD]  }
0x2d: {  	s3 =	simm.s32 $0x108;
	s8 =	sld [smem:$0x3FAE]  }
0x2e: {  	s3 =	simm.s32 @!p0 $0x1082;
	s9 =	sld [smem:$0x3FAF]  }
0x2f: {  	lr =	sadd.s32 s0, s3;
	s0 =	sld [smem:$0x3FA6]  }
0x30: {  	s3 =	sld [smem:$0x3FA9]  }
0x31: {  	[smem:$0x3FB2] =	sst s10  }
0x32: {  	s10 =	sld [smem:$0x3FB0];
	_ =	sdelay $0x3  }
0x33: {  	p0 =	seq.s32 s10, $0x1;
	s10 =	sld [smem:$0x3FB2];
	_ =	sdelay $0x3  }
0x34: {  	[smem:$0x3FB2] =	sst s10  }
0x35: {  	s10 =	sld [smem:$0x3FB1];
	_ =	sdelay $0x3  }
0x36: {  	p1 =	seq.s32 s10, $0x1;
	s10 =	sld [smem:$0x3FB2];
	_ =	sdelay $0x3  }
0x37: {  	[smem:$0x3FB2] =	sst s10  }
0x38: {  	s10 =	sld [smem:$0x3FB3]  }
0x39: {  	_ = 	snop;
	(pc) =	sbr.ind lr, $3  }
0x3a: {  	_ = 	snop  }
0x3b: {  	_ = 	snop  }
0x3c: {  	p2 =	seq.s32 s10, $0x1;
	s10 =	sld [smem:$0x3FB2]  }
0x3d: {  	_ =	shalt  }
0x3e: {  	_ =	shalt  }
0x3f: {  	_ =	shalt  }
0x40: {  	_ =	shalt  }
0x41: {  	_ =	shalt  }
0x42: {  	_ =	shalt  }
0x43: {  	_ =	shalt  }
0x44: {  	_ =	shalt  }
0x45: {  	_ =	shalt  }
0x46: {  	_ =	shalt  }
0x47: {  	_ =	shalt  }
0x48: {  	_ =	shalt  }
0x49: {  	_ =	shalt  }
0x4a: {  	_ =	shalt  }
0x4b: {  	_ =	shalt  }
0x4c: {  	_ =	shalt  }
0x4d: {  	_ =	shalt  }
0x4e: {  	_ =	shalt  }
0x4f: {  	_ =	shalt  }
0x50: {  	_ =	shalt  }
0x51: {  	_ =	shalt  }
0x52: {  	_ =	shalt  }
0x53: {  	_ =	shalt  }
0x54: {  	_ =	shalt  }
0x55: {  	_ =	shalt  }
0x56: {  	_ =	shalt  }
0x57: {  	_ =	shalt  }
0x58: {  	_ =	shalt  }
0x59: {  	_ =	shalt  }
0x5a: {  	_ =	shalt  }
0x5b: {  	_ =	shalt  }
0x5c: {  	_ =	shalt  }
0x5d: {  	_ =	shalt  }
0x5e: {  	_ =	shalt  }
0x5f: {  	_ =	shalt  }
0x60: {  	_ =	shalt  }
0x61: {  	_ =	shalt  }
0x62: {  	_ =	shalt  }
0x63: {  	_ =	shalt  }
0x64: {  	_ =	shalt  }
0x65: {  	_ =	shalt  }
0x66: {  	_ =	shalt  }
0x67: {  	_ =	shalt  }
0x68: {  	_ =	shalt  }
0x69: {  	_ =	shalt  }
0x6a: {  	_ =	shalt  }
0x6b: {  	_ =	shalt  }
0x6c: {  	_ =	shalt  }
0x6d: {  	_ =	shalt  }
0x6e: {  	_ =	shalt  }
0x6f: {  	_ =	shalt  }
0x70: {  	_ =	shalt  }
0x71: {  	_ =	shalt  }
0x72: {  	_ =	shalt  }
0x73: {  	_ =	shalt  }
0x74: {  	_ =	shalt  }
0x75: {  	_ =	shalt  }
0x76: {  	_ =	shalt  }
0x77: {  	_ =	shalt  }
0x78: {  	_ =	shalt  }
0x79: {  	_ =	shalt  }
0x7a: {  	_ =	shalt  }
0x7b: {  	_ =	shalt  }
0x7c: {  	_ =	shalt  }
0x7d: {  	_ =	shalt  }
0x7e: {  	_ =	shalt  }
0x7f: {  	_ =	shalt  }
0x80: {  	_ =	shalt  }
0x81: {  	_ =	shalt  }
0x82: {  	_ =	shalt  }
0x83: {  	_ =	shalt  }
0x84: {  	_ =	shalt  }
0x85: {  	_ =	shalt  }
0x86: {  	_ =	shalt  }
0x87: {  	_ =	shalt  }
.Lfunc_end0:
.L_simem_size_0:
called_computation.1_lowered:
.L_overlay_start_0:
0x88: {  	s2 =	sld [smem:$0x3FD9]  }
0x89: {  	s3 =	sld [smem:$0x3FFE];
	_ =	sdelay $0x1  }
0x8a: {  	s1 =	srdreg.scid  }
0x8b: {  	s0 =	sand.u32 $0x1, s1  }
0x8c: {  	s16 =	sshll.u32 s0, $0xA;
	s2 =	sadd.s32 s3, s2  }
0x8d: {  	s2 =	sadd.s32 s2, s16  }
0x8e: {  	[smem:$0x3FBE] =	sst s2  }
0x8f: {  	_ = 	snop  }
0x90: {  	(tm) =	ssettm $0x1  }
0x91: {  	s17 =	sld [smem:$0x3FFB];
	_ =	sdelay $0x3  }
0x92: {  	_ =	strace s17  }
0x93: {  	s2 =	sld [smem:$0x3FFC];
	_ =	sdelay $0x3  }
0x94: {  	_ =	strace s2  }
0x95: {  	s2 =	sld [smem:$0x3FFD];
	_ =	sdelay $0x3  }
0x96: {  	_ =	strace s2  }
0x97: {  	_ =	strace $0x8FFFFFFF  }
0x98: {  	s18 =	sld [smem:$0x3FDB];
	_ =	sdelay $0x1  }
0x99: {  	s19 =	simm.s32 $_scs_section_size  }
0x9a: {  	s4 =	simm.s32 $_size__tile_overlayer_lowered;
	s5 =	simm.s32 $_tile_overlayer_lowered  }
0x9b: {  	s22 =	simm.s32 $0x1BFF;
	s21 =	sshll.u32 s5, $0x1;
	s2 =	sadd.s32 s19, s18  }
0x9c: {  	s6 =	simm.s32 $0x0;
	s20 =	sshll.u32 s4, $0x1;
	s4 =	sadd.s32 s21, s2  }
0x9d: {  	[timem:s6], [sflag:s22] =	dma.local [hbm:s4], s20  }
0x9e: {  	_ =	swait.ge [sflag:s22], s20  }
0x9f: {  	s3 =	ssub.s32 $0x0, s20;
	[sflag:s22] =	ssyncset.done $0x0  }
0xa0: {  	[sflag:s22] =	ssyncadd.s32 s3;
	_ =	sdelay $0x1  }
0xa1: {  	s23 =	simm.s32 $0x1B8B  }
0xa2: {  	_ =	swait.ge [sflag:s23], $0x1  }
0xa3: {  	[sflag:s23] =	ssyncset.done $0x0  }
0xa4: {  	s25 =	simm.s32 $0x1B8E;
	s24 =	sld [smem:$0x3FFE];
	[sflag:s23] =	ssyncadd.s32 $0xFFFFFFFF  }
0xa5: {  	s26 =	simm.s32 $execute0_lowered;
	[smem:$0x3FD2] =	sst s25  }
0xa6: {  	s4 =	sshll.u32 s26, $0x1;
	_ =	strace $0x80000049;
	[dreg:$0x1] =	wrdreg $0xFFFFFFFF  }
0xa7: {  	s28 =	simm.s32 $_size_execute0_lowered;
	s2 =	sadd.s32 s2, s4;
	[dreg:$0x0] =	wrdreg $0x0  }
0xa8: {  	s4 =	sshll.u32 s28, $0x1;
	[dreg:$0x2] =	wrdreg s2  }
0xa9: {  	[dreg:$0x3] =	wrdreg s4  }
0xaa: {  	[dreg:$0x4] =	wrdreg $0xC0  }
0xab: {  	_ =	task [dreg:s6], $0x5FFFF  }
0xac: {  	[dreg:$0x1] =	wrdreg $0xFFFFFFFF  }
0xad: {  	[dreg:$0x0] =	wrdreg $0x60  }
0xae: {  	[dreg:$0x2] =	wrdreg s24  }
0xaf: {  	[dreg:$0x3] =	wrdreg $0x9  }
0xb0: {  	_ =	task.clear_ibuf [dreg:s6], $0x4FFFF;
	_ =	strace $0x90000049  }
0xb1: {  	s29 =	simm.s32 $0x9;
	_ =	strace $0x8000004B  }
0xb2: {  	_ =	swait.ge [sflag:s29], $0x1  }
0xb3: {  	[sflag:s29] =	ssyncadd.s32 $0xFFFFFFFF  }
0xb4: {  	_ =	strace $0x9000004B  }
0xb5: {  	_ =	sfence  }
0xb6: {  	s30 =	sld [smem:$0x0];
	_ =	sdelay $0x2  }
0xb7: {  	s31 =	sshll.u32 s1, $0xD;
	s1 =	sshrl.u32 s1, $0x2  }
0xb8: {  	s3 =	sand.u32 $0x4000, s31;
	s1 =	sadd.s32 s1, s30  }
0xb9: {  	s0 =	sor.u32 s3, s0;
	s1 =	sshll.u32 s1, $0x11  }
0xba: {  	s0 =	sor.u32 s1, s0  }
0xbb: {  	s0 =	sadd.s32 $0x8F2B, s0  }
0xbc: {  	[sflag:s0] =	ssyncadd.remote.s32 $0x1  }
0xbd: {  	_ =	sfence.sel $0xFFFF  }
0xbe: {  	[dreg:$0x0] =	wrdreg $0xFFFFFFFF;
	(pc) =	sbr.abs _section_cstart, $3  }
0xbf: {  	[dreg:$0x1] =	wrdreg $0xFFFFFFFF  }
0xc0: {  	_ =	task.clear_ibuf [dreg:s6], $0x2FFFF;
	_ =	strace $0x9FFFFFFF  }
0xc1: {  	(tm) =	ssettm $0x7FFFFFFF  }
tec
execute0_lowered:
.L_overlay_start_1:
0x0: {  	(tag) =	ssettag $0x1  }
0x1: {  	s1 =	srdreg.scid  }
0x2: {  	s0 =	stileid.u32;
	s4 =	rddreg [dreg:$0x0];
	s2 =	simm.s32 $0x0  }
0x3: {  	s9 =	simm.s32 $0x4E80;
	s3 =	sand.u32 $0x1, s1;
	s5 =	sshll.u32 s0, $0x1  }
0x4: {  	s10 =	simm.s32 $0x6280;
	s11 =	simm.s32 $0x7680;
	s5 =	sor.u32 s3, s5  }
0x5: {  	s1 =	rddreg [dreg:$0x1];
	s6 =	ssub.s32 $0x2, s3;
	s5 =	smul.u32 $0x271, s5  }
0x6: {  	s12 =	simm.s32 $0x0;
	[smem:$0x7FF] =	sst s2;
	s7 =	sshrl.u32 s6, $0x1  }
0x7: {  	_ =	strace $0x8000004A;
	s7 =	ssub.s32 s6, s7;
	s8 =	sadd.s32 s5, s4  }
0x8: {  	s3 =	sadd.s32 $0xCA00, s4;
	s7 =	smax.u32 s7, $0x1;
	s4 =	sadd.s32 $0x7A00, s8  }
0x9: {  	s5 =	sadd.s32 $0x2A00, s8;
	s6 =	sadd.s32 $0xD400, s8;
	s8 =	simm.s32 $0x1  }
.LBB2_1:
0xa: {  	[tilespmem:s2], [sflag:$0x1] =	stream.linear.gather [hbm4b:s3+s2], $0x4E80, $0x38;
	[tilespmem:$0x8A80] =	vst v63  }
0xb: {  	_ =	swait.ge [sflag:s8], $0x4E80  }
0xc: {  	[sflag:s8] =	ssyncset.done $0x0  }
0xd: {  	[sflag:s8] =	ssyncadd.s32 $0xFFFFB180  }
0xe: {  	[tilespmem:s9], [sflag:$0x1] =	stream.linear.gather [hbm4b:s4+s2], $0x1388, $0x38;
	[tilespmem:$0x8A80] =	vst v63  }
0xf: {  	_ =	swait.ge [sflag:s8], $0x1388  }
0x10: {  	[sflag:s8] =	ssyncset.done $0x0  }
0x11: {  	[sflag:s8] =	ssyncadd.s32 $0xFFFFEC78  }
0x12: {  	[tilespmem:s10], [sflag:$0x1] =	stream.linear.gather [hbm4b:s5+s2], $0x1388, $0x38;
	[tilespmem:$0x8A80] =	vst v63  }
0x13: {  	_ =	swait.ge [sflag:s8], $0x1388  }
0x14: {  	[sflag:s8] =	ssyncset.done $0x0  }
0x15: {  	s14 =	simm.s32 $0x0;
	[sflag:s8] =	ssyncadd.s32 $0xFFFFEC78  }
0x16: {  	v0 =	vld [tilespmem:s14+$0x6280]  }
0x17: {  	v1 =	vld [tilespmem:s14+$0x4E80];
	_ =	sdelay $0x4  }
0x18: {  	vm0 =	vgt.s32 v0, $0x0;
	vm13 =	vgt.s32 v1, $0x0  }
0x19: {  	v0 =	vnsel vm0, $0x0, v0;
	v1 =	vnsel vm13, $0x0, v1  }
0x1a: {  	s13 =	simm.s32 $0x10;
	v0 =	vmin.u32 v0, $0x270F;
	v1 =	vmin.u32 v1, $0x270F  }
0x1b: {  	v2 =	vld [tilespmem:s13+$0x6280];
	v0 =	vshll.u32 v0, $0x1;
	v1 =	vshll.u32 v1, $0x1  }
0x1c: {  	v0 =	vor.u32 $0x1, v0  }
0x1d: {  	v3 =	vld [tilespmem:s13+$0x4E80];
	_ =	sdelay $0x2  }
0x1e: {  	vm14 =	vgt.s32 v2, $0x0;
	v1 =	vld.idx.msk [tilespmem:v1+s2+$0x0], $0xffff  }
0x1f: {  	v2 =	vnsel vm14, $0x0, v2;
	v0 =	vld.idx.msk [tilespmem:v0+s2+$0x0], $0xffff  }
0x20: {  	vm15 =	vgt.s32 v3, $0x0;
	v2 =	vmin.u32 v2, $0x270F  }
0x21: {  	v3 =	vnsel vm15, $0x0, v3;
	v2 =	vshll.u32 v2, $0x1  }
0x22: {  	s15 =	simm.s32 $0x20;
	v4 =	vmin.u32 v3, $0x270F;
	v3 =	vor.u32 $0x1, v2  }
0x23: {  	s16 =	simm.s32 $0xC0;
	v4 =	vshll.u32 v4, $0x1;
	v2 =	vld [tilespmem:s15+$0x6280]  }
.LBB2_2:
0x24: {  	p0 =	sne.s32 s16, $0x4E00;
	v0 =	vadd.f32 v0, v1  }
0x25: {  	v5 =	vld [tilespmem:s15+$0x4E80]  }
0x26: {  	[tilespmem:s14+$0x7680] =	vst v0;
	s14 =	smov.u32 s13;
	s13 =	smov.u32 s15  }
0x27: {  	v0 =	vld.idx.msk [tilespmem:v3+s2+$0x0], $0xffff  }
0x28: {  	vm0 =	vgt.s32 v2, $0x0;
	v1 =	vld.idx.msk [tilespmem:v4+s2+$0x0], $0xffff  }
.Ltmp0:
0x29: {  	v2 =	vnsel vm0, $0x0, v2;
	(pc) =	sbr.rel @p0 .LBB2_2-.Ltmp0, $4  }
0x2a: {  	vm0 =	vgt.s32 v5, $0x0;
	v2 =	vmin.u32 v2, $0x270F  }
0x2b: {  	v3 =	vnsel vm0, $0x0, v5;
	v2 =	vshll.u32 v2, $0x1  }
0x2c: {  	s15 =	sshra.s32 s16, $0x2;
	v4 =	vmin.u32 v3, $0x270F;
	v3 =	vor.u32 $0x1, v2  }
0x2d: {  	s16 =	sadd.s32 $0x40, s16;
	v2 =	vld [tilespmem:s15+$0x6280];
	v4 =	vshll.u32 v4, $0x1  }
0x2e: {  	_ = 	snop  }
0x2f: {  	v0 =	vadd.f32 v0, v1;
	v62 =	vld [tilespmem:s15+$0x4E80];
	_ =	sdelay $0x1  }
0x30: {  	[tilespmem:s14+$0x7680] =	vst v0  }
0x31: {  	v0 =	vld.idx.msk [tilespmem:v3+s2+$0x0], $0xffff;
	vm0 =	vgt.s32 v2, $0x0  }
0x32: {  	v63 =	vld.idx.msk [tilespmem:v4+s2+$0x0], $0xffff;
	v2 =	vnsel vm0, $0x0, v2  }
0x33: {  	vm15 =	vgt.s32 v62, $0x0;
	v2 =	vmin.u32 v2, $0x270F  }
0x34: {  	v1 =	vnsel vm15, $0x0, v62;
	v2 =	vshll.u32 v2, $0x1  }
0x35: {  	v1 =	vmin.u32 v1, $0x270F;
	v2 =	vor.u32 $0x1, v2  }
0x36: {  	v1 =	vshll.u32 v1, $0x1  }
0x37: {  	v0 =	vadd.f32 v0, v63;
	_ =	sdelay $0x1  }
0x38: {  	[tilespmem:s13+$0x7680] =	vst v0  }
0x39: {  	v0 =	vld.idx.msk [tilespmem:v2+s2+$0x0], $0xffff  }
0x3a: {  	v1 =	vld.idx.msk [tilespmem:v1+s2+$0x0], $0xffff;
	_ =	sdelay $0x4  }
0x3b: {  	s12 =	sadd.s32 $0x1, s12;
	v0 =	vadd.f32 v0, v1  }
0x3c: {  	p0 =	sne.s32 s12, s7  }
.Ltmp1:
0x3d: {  	[tilespmem:s15+$0x7680] =	vst v0;
	(pc) =	sbr.rel @p0 .LBB2_1-.Ltmp1, $4  }
0x3e: {  	[hbm4b:s6+s2] =	stream.linear.scatter [tilespmem:s11], [sflag:$0x1], $0x1388, $0x38;
	[tilespmem:$0x8A80] =	vst v63  }
0x3f: {  	_ =	swait.ge [sflag:s8], $0x1388  }
0x40: {  	[sflag:s8] =	ssyncset.done $0x0  }
0x41: {  	[sflag:s8] =	ssyncadd.s32 $0xFFFFEC78  }
0x42: {  	_ =	sfence.sel $0x180000  }
0x43: {  	[bflag:$0x0] =	sbarrier.arrive $0xFFFF  }
0x44: {  	p0 =	sne.s32 s0, $0x0;
	_ =	strace $0x9000004A  }
0x45: {  	s0 =	sadd.s32 @!p0 $0x100000, s1;
	[bflag:$0x2] =	sbarrier.arrive $0xFFFF  }
0x46: {  	[sflag:s0] =	ssyncadd.tile.s32 @!p0 $0x1;
	_ =	shalt  }
.Lfunc_end2:
_tile_overlayer_lowered:
.L_overlay_start_2:
0x47: {  	(tag) =	ssettag $0x2  }
0x48: {  	s0 =	rddreg [dreg:$0x0];
	s2 =	stileid.u32  }
0x49: {  	s1 =	rddreg [dreg:$0x1];
	p0 =	sne.s32 s2, $0x0  }
0x4a: {  	s3 =	rddreg [dreg:$0x2];
	[bflag:$0x3] =	sbarrier.arrive $0xFFFF;
	s2 =	simm.s32 @!p0 $0x1C01  }
0x4b: {  	[timem:s3], [sflag:s2] =	dma.local @!p0 [hbm:s0], s1  }
0x4c: {  	s0 =	simm.s32 @!p0 $0x1  }
0x4d: {  	_ =	swait.ge @!p0 [sflag:s0], s1  }
0x4e: {  	s1 =	ssub.s32 @!p0 $0x0, s1;
	[sflag:s0] =	ssyncset.done @!p0 $0x0  }
0x4f: {  	[sflag:s0] =	ssyncadd.s32 @!p0 s1  }
0x50: {  	[bflag:$0x3] =	sbarrier.arrive $0xFFFF  }
0x51: {  	_ =	shalt  }

// kernel: kernel.8.cloned.1.call-start
scs
__scs_entry_jumppad:
0x0: {  	(pc) =	sbr.rel $0x88, $3  }
0x1: {  	(tag) =	ssettag $0x0;
	lr =	simm.s32 $0x1  }
0x2: {  	[smem:$0x3F97] =	sst lr;
	_ =	strace $0xD0000000  }
0x3: {  	_ = 	snop  }
0x4: {  	_ = 	snop  }
0x5: {  	_ = 	snop  }
0x6: {  	_ = 	snop  }
0x7: {  	_ = 	snop  }
__scs_overlays_trampoline_lowered:
0x8: {  	[smem:$0x3FA6] =	sst s0  }
0x9: {  	[smem:$0x3FA7] =	sst s1  }
0xa: {  	[smem:$0x3FA8] =	sst s2  }
0xb: {  	[smem:$0x3FA9] =	sst s3  }
0xc: {  	[smem:$0x3FAA] =	sst s4  }
0xd: {  	[smem:$0x3FAB] =	sst s5  }
0xe: {  	[smem:$0x3FAC] =	sst s6  }
0xf: {  	[smem:$0x3FAD] =	sst s7  }
0x10: {  	[smem:$0x3FAE] =	sst s8  }
0x11: {  	[smem:$0x3FAF] =	sst s9;
	s0 =	simm.s32 @!p0 $0x0  }
0x12: {  	s1 =	sld [smem:$0x3F95];
	s0 =	simm.s32 @p0 $0x1  }
0x13: {  	[smem:$0x3FB0] =	sst s0;
	s0 =	simm.s32 @!p1 $0x0  }
0x14: {  	s2 =	sld [smem:$0x3F94];
	s0 =	simm.s32 @p1 $0x1  }
0x15: {  	[smem:$0x3FB1] =	sst s0;
	s0 =	simm.s32 @!p2 $0x0  }
0x16: {  	s3 =	sld [smem:$0x3FDB];
	s0 =	simm.s32 @p2 $0x1  }
0x17: {  	s4 =	simm.s32 $0x1BF5;
	[smem:$0x3FB3] =	sst s0  }
0x18: {  	s0 =	sld [smem:$0x3F96];
	_ =	swait.ge [sflag:s4], $0x0  }
0x19: {  	s7 =	sld [smem:$0x3F97]  }
0x1a: {  	s8 =	sadd.s32 $0xFFFFE003, lr  }
0x1b: {  	s9 =	sadd.s32 $0xFFFFFEF7, lr;
	s5 =	simm.s32 $0xFFFFFFFF;
	p2 =	slt.u32 s8, $0xFFFFF086  }
0x1c: {  	p1 =	slt.u32 s9, $0xF7A;
	s5 =	simm.s32 @!p2 $0x0  }
0x1d: {  	s5 =	simm.s32 @p1 $0x1;
	p0 =	seq.s32 s7, s2  }
0x1e: {  	s7 =	smul.u32 @!p0 $0xF7A, s2;
	p2 =	seq.s32 @!p0 s5, $0x0  }
0x1f: {  	s9 =	smul.u32 $0xF7A, s1;
	s8 =	simm.s32 @!p0 $0x1BF5;
	p2 =	por !p2, p0  }
0x20: {  	[sflag:s8] =	ssyncset.s32 @!p0 $0xFFFFF086;
	s6 =	sadd.s32 @!p0 s3, s7;
	s7 =	simm.s32 @!p0 $0x108  }
0x21: {  	s3 =	sadd.s32 s3, s9;
	s6 =	sadd.s32 @!p0 $0x88, s6;
	s7 =	simm.s32 @p2 $0x1082  }
0x22: {  	[simem:s7], [sflag:s8] =	dma.local @!p0 [hbm:s6], $0xF7A  }
0x23: {  	s9 =	sor.u32 $0xD0000000, s2;
	s6 =	simm.s32 $0x108;
	_ =	swait.ge @!p0 [sflag:s8], $0x0  }
0x24: {  	s3 =	sadd.s32 $0x88, s3;
	s6 =	simm.s32 @!p1 $0x1082;
	[sflag:s4] =	ssyncset.s32 $0xFFFFF086  }
0x25: {  	[simem:s6], [sflag:s4] =	dma.local [hbm:s3], $0xF7A  }
0x26: {  	[smem:$0x3F97] =	sst s1;
	(tag) =	ssettag s2;
	_ =	strace s9  }
0x27: {  	s1 =	sld [smem:$0x3FA7]  }
0x28: {  	s2 =	sld [smem:$0x3FA8]  }
0x29: {  	s4 =	sld [smem:$0x3FAA]  }
0x2a: {  	p0 =	seq.s32 s5, $0x0;
	s5 =	sld [smem:$0x3FAB]  }
0x2b: {  	s6 =	sld [smem:$0x3FAC]  }
0x2c: {  	s7 =	sld [smem:$0x3FAD]  }
0x2d: {  	s3 =	simm.s32 $0x108;
	s8 =	sld [smem:$0x3FAE]  }
0x2e: {  	s3 =	simm.s32 @!p0 $0x1082;
	s9 =	sld [smem:$0x3FAF]  }
0x2f: {  	lr =	sadd.s32 s0, s3;
	s0 =	sld [smem:$0x3FA6]  }
0x30: {  	s3 =	sld [smem:$0x3FA9]  }
0x31: {  	[smem:$0x3FB2] =	sst s10  }
0x32: {  	s10 =	sld [smem:$0x3FB0];
	_ =	sdelay $0x3  }
0x33: {  	p0 =	seq.s32 s10, $0x1;
	s10 =	sld [smem:$0x3FB2];
	_ =	sdelay $0x3  }
0x34: {  	[smem:$0x3FB2] =	sst s10  }
0x35: {  	s10 =	sld [smem:$0x3FB1];
	_ =	sdelay $0x3  }
0x36: {  	p1 =	seq.s32 s10, $0x1;
	s10 =	sld [smem:$0x3FB2];
	_ =	sdelay $0x3  }
0x37: {  	[smem:$0x3FB2] =	sst s10  }
0x38: {  	s10 =	sld [smem:$0x3FB3]  }
0x39: {  	_ = 	snop;
	(pc) =	sbr.ind lr, $3  }
0x3a: {  	_ = 	snop  }
0x3b: {  	_ = 	snop  }
0x3c: {  	p2 =	seq.s32 s10, $0x1;
	s10 =	sld [smem:$0x3FB2]  }
0x3d: {  	_ =	shalt  }
0x3e: {  	_ =	shalt  }
0x3f: {  	_ =	shalt  }
0x40: {  	_ =	shalt  }
0x41: {  	_ =	shalt  }
0x42: {  	_ =	shalt  }
0x43: {  	_ =	shalt  }
0x44: {  	_ =	shalt  }
0x45: {  	_ =	shalt  }
0x46: {  	_ =	shalt  }
0x47: {  	_ =	shalt  }
0x48: {  	_ =	shalt  }
0x49: {  	_ =	shalt  }
0x4a: {  	_ =	shalt  }
0x4b: {  	_ =	shalt  }
0x4c: {  	_ =	shalt  }
0x4d: {  	_ =	shalt  }
0x4e: {  	_ =	shalt  }
0x4f: {  	_ =	shalt  }
0x50: {  	_ =	shalt  }
0x51: {  	_ =	shalt  }
0x52: {  	_ =	shalt  }
0x53: {  	_ =	shalt  }
0x54: {  	_ =	shalt  }
0x55: {  	_ =	shalt  }
0x56: {  	_ =	shalt  }
0x57: {  	_ =	shalt  }
0x58: {  	_ =	shalt  }
0x59: {  	_ =	shalt  }
0x5a: {  	_ =	shalt  }
0x5b: {  	_ =	shalt  }
0x5c: {  	_ =	shalt  }
0x5d: {  	_ =	shalt  }
0x5e: {  	_ =	shalt  }
0x5f: {  	_ =	shalt  }
0x60: {  	_ =	shalt  }
0x61: {  	_ =	shalt  }
0x62: {  	_ =	shalt  }
0x63: {  	_ =	shalt  }
0x64: {  	_ =	shalt  }
0x65: {  	_ =	shalt  }
0x66: {  	_ =	shalt  }
0x67: {  	_ =	shalt  }
0x68: {  	_ =	shalt  }
0x69: {  	_ =	shalt  }
0x6a: {  	_ =	shalt  }
0x6b: {  	_ =	shalt  }
0x6c: {  	_ =	shalt  }
0x6d: {  	_ =	shalt  }
0x6e: {  	_ =	shalt  }
0x6f: {  	_ =	shalt  }
0x70: {  	_ =	shalt  }
0x71: {  	_ =	shalt  }
0x72: {  	_ =	shalt  }
0x73: {  	_ =	shalt  }
0x74: {  	_ =	shalt  }
0x75: {  	_ =	shalt  }
0x76: {  	_ =	shalt  }
0x77: {  	_ =	shalt  }
0x78: {  	_ =	shalt  }
0x79: {  	_ =	shalt  }
0x7a: {  	_ =	shalt  }
0x7b: {  	_ =	shalt  }
0x7c: {  	_ =	shalt  }
0x7d: {  	_ =	shalt  }
0x7e: {  	_ =	shalt  }
0x7f: {  	_ =	shalt  }
0x80: {  	_ =	shalt  }
0x81: {  	_ =	shalt  }
0x82: {  	_ =	shalt  }
0x83: {  	_ =	shalt  }
0x84: {  	_ =	shalt  }
0x85: {  	_ =	shalt  }
0x86: {  	_ =	shalt  }
0x87: {  	_ =	shalt  }
.Lfunc_end0:
.L_simem_size_0:
called_computation_lowered:
.L_overlay_start_0:
0x88: {  	s2 =	sld [smem:$0x3FD9]  }
0x89: {  	s3 =	sld [smem:$0x3FFE];
	_ =	sdelay $0x1  }
0x8a: {  	s1 =	srdreg.scid  }
0x8b: {  	s0 =	sand.u32 $0x1, s1  }
0x8c: {  	s16 =	sshll.u32 s0, $0xA;
	s2 =	sadd.s32 s3, s2  }
0x8d: {  	s2 =	sadd.s32 s2, s16  }
0x8e: {  	[smem:$0x3FBE] =	sst s2  }
0x8f: {  	_ = 	snop  }
0x90: {  	(tm) =	ssettm $0x1  }
0x91: {  	s17 =	sld [smem:$0x3FFB];
	_ =	sdelay $0x3  }
0x92: {  	_ =	strace s17  }
0x93: {  	s2 =	sld [smem:$0x3FFC];
	_ =	sdelay $0x3  }
0x94: {  	_ =	strace s2  }
0x95: {  	s2 =	sld [smem:$0x3FFD];
	_ =	sdelay $0x3  }
0x96: {  	_ =	strace s2  }
0x97: {  	_ =	strace $0x8FFFFFFF  }
0x98: {  	s18 =	sld [smem:$0x3FDB];
	_ =	sdelay $0x1  }
0x99: {  	s19 =	simm.s32 $_scs_section_size  }
0x9a: {  	s4 =	simm.s32 $_size__tile_overlayer_lowered;
	s5 =	simm.s32 $_tile_overlayer_lowered  }
0x9b: {  	s22 =	simm.s32 $0x1BFF;
	s21 =	sshll.u32 s5, $0x1;
	s2 =	sadd.s32 s19, s18  }
0x9c: {  	s6 =	simm.s32 $0x0;
	s20 =	sshll.u32 s4, $0x1;
	s4 =	sadd.s32 s21, s2  }
0x9d: {  	[timem:s6], [sflag:s22] =	dma.local [hbm:s4], s20  }
0x9e: {  	_ =	swait.ge [sflag:s22], s20  }
0x9f: {  	s3 =	ssub.s32 $0x0, s20;
	[sflag:s22] =	ssyncset.done $0x0  }
0xa0: {  	[sflag:s22] =	ssyncadd.s32 s3;
	_ =	sdelay $0x1  }
0xa1: {  	s23 =	simm.s32 $0x1B8B  }
0xa2: {  	_ =	swait.ge [sflag:s23], $0x1  }
0xa3: {  	[sflag:s23] =	ssyncset.done $0x0  }
0xa4: {  	s25 =	simm.s32 $0x1B8E;
	s24 =	sld [smem:$0x3FFE];
	[sflag:s23] =	ssyncadd.s32 $0xFFFFFFFF  }
0xa5: {  	s26 =	simm.s32 $execute0_lowered;
	[smem:$0x3FD2] =	sst s25  }
0xa6: {  	s4 =	sshll.u32 s26, $0x1;
	_ =	strace $0x80000046;
	[dreg:$0x1] =	wrdreg $0xFFFFFFFF  }
0xa7: {  	s28 =	simm.s32 $_size_execute0_lowered;
	s2 =	sadd.s32 s2, s4;
	[dreg:$0x0] =	wrdreg $0x0  }
0xa8: {  	s4 =	sshll.u32 s28, $0x1;
	[dreg:$0x2] =	wrdreg s2  }
0xa9: {  	[dreg:$0x3] =	wrdreg s4  }
0xaa: {  	[dreg:$0x4] =	wrdreg $0xC0  }
0xab: {  	_ =	task [dreg:s6], $0x5FFFF  }
0xac: {  	[dreg:$0x1] =	wrdreg $0xFFFFFFFF  }
0xad: {  	[dreg:$0x0] =	wrdreg $0x60  }
0xae: {  	[dreg:$0x2] =	wrdreg s24  }
0xaf: {  	[dreg:$0x3] =	wrdreg $0x0  }
0xb0: {  	[dreg:$0x4] =	wrdreg $0x9  }
0xb1: {  	_ =	task.clear_ibuf [dreg:s6], $0x5FFFF;
	_ =	strace $0x90000046  }
0xb2: {  	s29 =	simm.s32 $0x9;
	_ =	strace $0x80000048  }
0xb3: {  	_ =	swait.ge [sflag:s29], $0x1  }
0xb4: {  	[sflag:s29] =	ssyncadd.s32 $0xFFFFFFFF  }
0xb5: {  	_ =	strace $0x90000048  }
0xb6: {  	_ =	sfence  }
0xb7: {  	s30 =	sld [smem:$0x0];
	_ =	sdelay $0x2  }
0xb8: {  	s31 =	sshll.u32 s1, $0xD;
	s1 =	sshrl.u32 s1, $0x2  }
0xb9: {  	s3 =	sand.u32 $0x4000, s31;
	s1 =	sadd.s32 s1, s30  }
0xba: {  	s0 =	sor.u32 s3, s0;
	s1 =	sshll.u32 s1, $0x11  }
0xbb: {  	s0 =	sor.u32 s1, s0  }
0xbc: {  	s0 =	sadd.s32 $0x8F2B, s0  }
0xbd: {  	[sflag:s0] =	ssyncadd.remote.s32 $0x1  }
0xbe: {  	_ =	sfence.sel $0xFFFF  }
0xbf: {  	[dreg:$0x0] =	wrdreg $0xFFFFFFFF;
	(pc) =	sbr.abs _section_cstart, $3  }
0xc0: {  	[dreg:$0x1] =	wrdreg $0xFFFFFFFF  }
0xc1: {  	_ =	task.clear_ibuf [dreg:s6], $0x2FFFF;
	_ =	strace $0x9FFFFFFF  }
0xc2: {  	(tm) =	ssettm $0x7FFFFFFF  }
0xc3: {  	_ =	shalt  }
tec
execute0_lowered:
.L_overlay_start_1:
0x0: {  	(tag) =	ssettag $0x1  }
0x1: {  	s6 =	rddreg [dreg:$0x0]  }
0x2: {  	s0 =	srdreg.scid;
	s2 =	rddreg [dreg:$0x1];
	s3 =	simm.s32 $0x0  }
0x3: {  	s14 =	simm.s32 $0x3;
	s15 =	simm.s32 $0x16040;
	s16 =	simm.s32 $0x19840  }
0x4: {  	s17 =	simm.s32 $0x60;
	s18 =	simm.s32 $0x13920;
	s19 =	simm.s32 $0x1C840  }
0x5: {  	s20 =	simm.s32 $0x1;
	s21 =	simm.s32 $0x2;
	s22 =	simm.s32 $0x19340  }
0x6: {  	s23 =	simm.s32 $0x193C0;
	s5 =	sand.u32 $0x1, s0;
	s0 =	stileid.u32  }
0x7: {  	s24 =	simm.s32 $0x19440;
	s25 =	simm.s32 $0x0;
	s29 =	smul.u32 $0x700, s0  }
0x8: {  	[smem:$0x7FF] =	sst s3;
	s1 =	sshll.u32 s5, $0x4;
	s9 =	smul.u32 $0x27100, s5  }
0x9: {  	s7 =	sshll.u32 s0, $0x7;
	s5 =	ssub.s32 $0x2, s5;
	s10 =	smul.u32 $0xA000, s0  }
0xa: {  	s11 =	ssub.s32 $0x8C, s0;
	s12 =	smul.u32 $0x500, s0;
	s1 =	sor.u32 s0, s1  }
0xb: {  	s7 =	sand.u32 $0x380, s7;
	s30 =	sshrl.u32 s5, $0x1;
	s1 =	sshrl.u32 s1, $0x3  }
0xc: {  	s9 =	sadd.s32 s9, s6;
	s13 =	ssub.s32 s5, s30;
	s5 =	sshrl.u32 s11, $0x4  }
0xd: {  	s10 =	sshrl.u32 s10, $0x2;
	s11 =	simm.s32 $0x80;
	s4 =	smul.u32 $0x13C00, s1  }
0xe: {  	s1 =	rddreg [dreg:$0x2];
	_ =	strace $0x80000047;
	s31 =	sadd.s32 s12, s9  }
0xf: {  	s9 =	sadd.s32 s10, s2;
	s12 =	simm.s32 $0x400;
	s4 =	sor.u32 s7, s4  }
0x10: {  	s10 =	sadd.s32 $0x6BA00, s31;
	s7 =	sadd.s32 s29, s6;
	s8 =	sshrl.u32 s4, $0x3  }
0x11: {  	s4 =	sadd.s32 $0x13A00, s6;
	s7 =	sadd.s32 $0xCA00, s7;
	s8 =	sadd.s32 s8, s6  }
0x12: {  	v0 =	vimm.f32 $0.0e+00;
	s6 =	sadd.s32 $0x61C00, s8;
	s8 =	smax.u32 s13, $0x1;
	s13 =	simm.s32 $0x138C0  }
.LBB2_1:
0x13: {  	[tilespmem:s13], [sflag:$0x3] =	stream.strided.gather [hbm4b:s6+s11], $0x2780, s12, s11, $0x38;
	[tilespmem:$0x1F840] =	vst v63  }
0x14: {  	_ =	swait.ge [sflag:s14], $0x2780  }
0x15: {  	[sflag:s14] =	ssyncset.done $0x0  }
0x16: {  	[sflag:s14] =	ssyncadd.s32 $0xFFFFD880  }
0x17: {  	[tilespmem:s15], [sflag:$0x3] =	stream.linear.gather [hbm4b:s7+s3], $0x3480, $0x38;
	[tilespmem:$0x1F840] =	vst v63  }
0x18: {  	s26 =	sand.u32 $0xFE00, s3;
	s28 =	sand.u32 $0x70, s3;
	_ =	swait.ge [sflag:s14], $0x3480  }
0x19: {  	s29 =	sshrl.u32 s26, $0x2;
	s26 =	simm.s32 $0x40;
	[sflag:s14] =	ssyncset.done $0x0  }
0x1a: {  	s29 =	sor.u32 s28, s29;
	s28 =	simm.s32 $0x0;
	[sflag:s14] =	ssyncadd.s32 $0xFFFFCB80  }
.LBB2_2:
0x1b: {  	p0 =	sne.s32 s26, $0x9FC0  }
0x1c: {  	[tilespmem:s29+$0x19840] =	vst v0;
	s28 =	sadd.s32 $0x10, s28;
	s29 =	smov.u32 s26;
	s26 =	sadd.s32 $0x40, s26  }
.Ltmp0:
0x1d: {  	(pc) =	sbr.rel @p0 .LBB2_2-.Ltmp0, $4  }
0x1e: {  	_ = 	snop  }
0x1f: {  	s29 =	sand.u32 $0xFE00, s29  }
0x20: {  	s30 =	sand.u32 $0x70, s28;
	s29 =	sshrl.u32 s29, $0x2  }
0x21: {  	s29 =	sor.u32 s30, s29  }
0x22: {  	p0 =	sne.s32 s5, $0x1  }
.Ltmp1:
0x23: {  	_ = 	snop;
	(pc) =	sbr.rel @!p0 .LBB2_5-.Ltmp1, $4  }
0x24: {  	[tilespmem:s29+$0x19840] =	vst v0  }
0x25: {  	[spmem:s9] =	stream.linear.scatter [tilespmem:s16], [sflag:$0x3], $0x2800, $0x38;
	[tilespmem:$0x1F840] =	vst v63  }
0x26: {  	_ =	swait.ge [sflag:s14], $0x2800  }
0x27: {  	s26 =	sadd.s32 $0xFFFFFFFF, s5;
	s28 =	smov.u32 s9;
	[sflag:s14] =	ssyncset.done $0x0  }
.LBB2_4:
0x28: {  	p1 =	sne.s32 s26, $0x1;
	[sflag:s14] =	ssyncadd.s32 $0xFFFFD800;
	s28 =	sadd.s32 $0x28000, s28  }
.Ltmp2:
0x29: {  	s26 =	sadd.s32 $0xFFFFFFFF, s26;
	(pc) =	sbr.rel @p1 .LBB2_4-.Ltmp2, $4  }
0x2a: {  	_ = 	snop  }
0x2b: {  	[spmem:s28] =	stream.linear.scatter [tilespmem:s16], [sflag:$0x3], $0x2800, $0x38;
	[tilespmem:$0x1F840] =	vst v63  }
0x2c: {  	_ =	swait.ge [sflag:s14], $0x2800  }
0x2d: {  	[sflag:s14] =	ssyncset.done $0x0  }
.LBB2_5:
0x2e: {  	[sflag:s14] =	ssyncadd.s32 $0xFFFFD800  }
0x2f: {  	[bflag:$0x0] =	sbarrier.arrive $0xFFFF  }
0x30: {  	[tilespmem:s16], [sflag:$0x1] =	stream.indirect.gather [hbm4b:s4+s17], $0x80, s13, s17, $0xb8;
	[tilespmem:$0x1F840] =	vst v63  }
0x31: {  	_ = 	snop  }
0x32: {  	[tilespmem:s19], [sflag:$0x2] =	stream.indirect.gather [hbm4b:s4+s17], $0x80, s18, s17, $0xb8;
	[tilespmem:$0x1F840] =	vst v63  }
0x33: {  	_ =	swait.ge [sflag:s20], $0x3000  }
0x34: {  	[sflag:s20] =	ssyncset.done $0x0  }
0x35: {  	s26 =	simm.s32 $0x16040;
	[sflag:s20] =	ssyncadd.s32 $0xFFFFD000  }
0x36: {  	[spmem:s2] =	stream.indirect.scatter.add.f32 [tilespmem:s16], [sflag:$0x3], $0x80, s26, s17, $0xb8;
	[tilespmem:$0x1F840] =	vst v63  }
0x37: {  	_ =	swait.ge [sflag:s14], $0x3000  }
0x38: {  	[sflag:s14] =	ssyncset.done $0x0  }
0x39: {  	s30 =	simm.s32 $0x13980;
	[sflag:s14] =	ssyncadd.s32 $0xFFFFD000  }
0x3a: {  	[tilespmem:s16], [sflag:$0x1] =	stream.indirect.gather [hbm4b:s4+s17], $0x80, s30, s17, $0xb8;
	[tilespmem:$0x1F840] =	vst v63  }
0x3b: {  	_ =	swait.ge [sflag:s21], $0x3000  }
0x3c: {  	[sflag:s21] =	ssyncset.done $0x0  }
0x3d: {  	s31 =	simm.s32 $0x160C0;
	[sflag:s21] =	ssyncadd.s32 $0xFFFFD000  }
0x3e: {  	[spmem:s2] =	stream.indirect.scatter.add.f32 [tilespmem:s19], [sflag:$0x3], $0x80, s31, s17, $0xb8;
	[tilespmem:$0x1F840] =	vst v63  }
0x3f: {  	_ =	swait.ge [sflag:s14], $0x3000  }
0x40: {  	s28 =	simm.s32 $0x400;
	[sflag:s14] =	ssyncset.done $0x0  }
0x41: {  	s29 =	simm.s32 $0x139E0;
	s26 =	simm.s32 $0x13A40;
	[sflag:s14] =	ssyncadd.s32 $0xFFFFD000  }
.LBB2_6:
0x42: {  	[tilespmem:s19], [sflag:$0x2] =	stream.indirect.gather [hbm4b:s4+s17], $0x80, s29, s17, $0xb8;
	[tilespmem:$0x1F840] =	vst v63  }
0x43: {  	s29 =	smov.u32 s28  }
0x44: {  	p1 =	sne.s32 s28, $0xC800;
	s28 =	sadd.s32 $0x400, s28;
	_ =	swait.ge [sflag:s20], $0x3000  }
0x45: {  	s29 =	sshra.s32 s29, $0x2;
	[sflag:s20] =	ssyncset.done $0x0  }
0x46: {  	s30 =	sadd.s32 $0x16040, s29;
	[sflag:s20] =	ssyncadd.s32 $0xFFFFD000  }
0x47: {  	[spmem:s2] =	stream.indirect.scatter.add.f32 [tilespmem:s16], [sflag:$0x3], $0x80, s30, s17, $0xb8;
	[tilespmem:$0x1F840] =	vst v63  }
0x48: {  	_ =	swait.ge [sflag:s14], $0x3000  }
0x49: {  	[sflag:s14] =	ssyncset.done $0x0  }
0x4a: {  	[sflag:s14] =	ssyncadd.s32 $0xFFFFD000  }
0x4b: {  	[tilespmem:s16], [sflag:$0x1] =	stream.indirect.gather [hbm4b:s4+s17], $0x80, s26, s17, $0xb8;
	[tilespmem:$0x1F840] =	vst v63  }
0x4c: {  	_ =	swait.ge [sflag:s21], $0x3000  }
0x4d: {  	[sflag:s21] =	ssyncset.done $0x0  }
.Ltmp3:
0x4e: {  	s29 =	sadd.s32 $0x160C0, s29;
	[sflag:s21] =	ssyncadd.s32 $0xFFFFD000;
	(pc) =	sbr.rel @p1 .LBB2_6-.Ltmp3, $4  }
0x4f: {  	[spmem:s2] =	stream.indirect.scatter.add.f32 [tilespmem:s19], [sflag:$0x3], $0x80, s29, s17, $0xb8;
	[tilespmem:$0x1F840] =	vst v63  }
0x50: {  	_ =	swait.ge [sflag:s14], $0x3000  }
0x51: {  	[sflag:s14] =	ssyncset.done $0x0  }
0x52: {  	s29 =	sadd.s32 $0x60, s26;
	s26 =	sadd.s32 $0xC0, s26;
	[sflag:s14] =	ssyncadd.s32 $0xFFFFD000  }
0x53: {  	[tilespmem:s19], [sflag:$0x2] =	stream.indirect.gather [hbm4b:s4+s17], $0x80, s29, s17, $0xb8;
	[tilespmem:$0x1F840] =	vst v63  }
0x54: {  	_ =	swait.ge [sflag:s20], $0x3000  }
0x55: {  	[sflag:s20] =	ssyncset.done $0x0  }
0x56: {  	[sflag:s20] =	ssyncadd.s32 $0xFFFFD000  }
0x57: {  	[spmem:s2] =	stream.indirect.scatter.add.f32 [tilespmem:s16], [sflag:$0x3], $0x80, s22, s17, $0xb8;
	[tilespmem:$0x1F840] =	vst v63  }
0x58: {  	_ =	swait.ge [sflag:s14], $0x3000  }
0x59: {  	[sflag:s14] =	ssyncset.done $0x0  }
0x5a: {  	[sflag:s14] =	ssyncadd.s32 $0xFFFFD000  }
0x5b: {  	[tilespmem:s16], [sflag:$0x1] =	stream.indirect.gather [hbm4b:s4+s17], $0x80, s26, s17, $0xb8;
	[tilespmem:$0x1F840] =	vst v63  }
0x5c: {  	_ =	swait.ge [sflag:s21], $0x3000  }
0x5d: {  	[sflag:s21] =	ssyncset.done $0x0  }
0x5e: {  	[sflag:s21] =	ssyncadd.s32 $0xFFFFD000  }
0x5f: {  	[spmem:s2] =	stream.indirect.scatter.add.f32 [tilespmem:s19], [sflag:$0x3], $0x80, s23, s17, $0xb8;
	[tilespmem:$0x1F840] =	vst v63  }
0x60: {  	_ =	swait.ge [sflag:s14], $0x3000  }
0x61: {  	[sflag:s14] =	ssyncset.done $0x0  }
0x62: {  	[sflag:s14] =	ssyncadd.s32 $0xFFFFD000  }
0x63: {  	_ =	swait.ge [sflag:s20], $0x3000  }
0x64: {  	[sflag:s20] =	ssyncset.done $0x0  }
0x65: {  	[sflag:s20] =	ssyncadd.s32 $0xFFFFD000  }
0x66: {  	[spmem:s2] =	stream.indirect.scatter.add.f32 [tilespmem:s16], [sflag:$0x3], $0x80, s24, s17, $0xb8;
	[tilespmem:$0x1F840] =	vst v63  }
0x67: {  	_ =	swait.ge [sflag:s14], $0x3000  }
.Ltmp4:
0x68: {  	[sflag:s14] =	ssyncset.done $0x0;
	(pc) =	sbr.rel @!p0 .LBB2_9-.Ltmp4, $4  }
0x69: {  	s31 =	sshll.u32 s0, $0x6;
	s28 =	sshrl.u32 s9, $0x3;
	[sflag:s14] =	ssyncadd.s32 $0xFFFFD000  }
0x6a: {  	s29 =	sadd.s32 $0x28000, s9;
	s26 =	sor.u32 $0x1C03, s31;
	[bflag:$0x0] =	sbarrier.arrive $0xFFFF  }
0x6b: {  	[hbm:s10], [sflag:s26] =	dma.local [spmem:s28], $0x500  }
0x6c: {  	s30 =	smov.u32 s10;
	s28 =	sadd.s32 $0xFFFFFFFF, s5;
	_ =	swait.ge [sflag:s14], $0x500  }
.LBB2_8:
0x6d: {  	[sflag:s14] =	ssyncset.done $0x0;
	s30 =	sadd.s32 $0x5000, s30;
	p0 =	sne.s32 s28, $0x1  }
.Ltmp5:
0x6e: {  	s31 =	sshrl.u32 s29, $0x3;
	[sflag:s14] =	ssyncadd.s32 $0xFFFFFB00;
	(pc) =	sbr.rel @p0 .LBB2_8-.Ltmp5, $3  }
0x6f: {  	[hbm:s30], [sflag:s26] =	dma.local [spmem:s31], $0x500  }
0x70: {  	s28 =	sadd.s32 $0xFFFFFFFF, s28;
	_ =	sdelay $0x1  }
0x71: {  	s29 =	sadd.s32 $0x28000, s29;
	_ =	swait.ge [sflag:s14], $0x500  }
.LBB2_9:
0x72: {  	s25 =	sadd.s32 $0x1, s25  }
0x73: {  	p0 =	sne.s32 s25, s8  }
.Ltmp6:
0x74: {  	_ = 	snop;
	(pc) =	sbr.rel @p0 .LBB2_1-.Ltmp6, $3  }
0x75: {  	_ =	sdelay $0x1  }
0x76: {  	[sflag:s14] =	ssyncset.done $0x0  }
0x77: {  	[sflag:s14] =	ssyncadd.s32 $0xFFFFFB00  }
0x78: {  	_ =	sfence.sel $0x180000  }
0x79: {  	[bflag:$0x0] =	sbarrier.arrive $0xFFFF  }
0x7a: {  	p0 =	sne.s32 s0, $0x0;
	_ =	strace $0x90000047  }
0x7b: {  	s0 =	sadd.s32 @!p0 $0x100000, s1;
	[bflag:$0x2] =	sbarrier.arrive $0xFFFF  }
0x7c: {  	[sflag:s0] =	ssyncadd.tile.s32 @!p0 $0x1;
	_ =	shalt  }
.Lfunc_end2:
_tile_overlayer_lowered:
.L_overlay_start_2:
0x7d: {  	(tag) =	ssettag $0x2  }
0x7e: {  	s0 =	rddreg [dreg:$0x0];
	s2 =	stileid.u32  }
0x7f: {  	s1 =	rddreg [dreg:$0x1];
	p0 =	sne.s32 s2, $0x0  }
0x80: {  	s3 =	rddreg [dreg:$0x2];
	[bflag:$0x3] =	sbarrier.arrive $0xFFFF;
	s2 =	simm.s32 @!p0 $0x1C03  }
0x81: {  	[timem:s3], [sflag:s2] =	dma.local @!p0 [hbm:s0], s1  }
0x82: {  	s0 =	simm.s32 @!p0 $0x3  }
0x83: {  	_ =	swait.ge @!p0 [sflag:s0], s1  }
0x84: {  	s1 =	ssub.s32 @!p0 $0x0, s1;
	[sflag:s0] =	ssyncset.done @!p0 $0x0  }
0x85: {  	[sflag:s0] =	ssyncadd.s32 @!p0 s1  }
0x86: {  	[bflag:$0x3] =	sbarrier.arrive $0xFFFF  }
0x87: {  	_ =	shalt  }

</sc_bundles>
